<compile_context>
chip_gen: v7x
topology: tpu7x:2x2x1
jax: 0.10.2.dev20260603
libtpu: 0.0.44.dev20260713+nightly
codegen_flags: <defaults>
</compile_context>

<pallas_src>
import functools

import jax
import jax.numpy as jnp
from jax import lax
from jax.experimental import pallas as pl
from jax.experimental.pallas import tpu as pltpu
from jax.experimental.pallas import tpu_sc as plsc

D_MODEL = 128
MAX_DAYS = 3650
CH = 64
NBUF = 10

_info = plsc.get_sparse_core_info()
NC, NS = _info.num_cores, _info.num_subcores
NW = NC * NS


def _sc_gather(idx3d, pe):
    n_chunks = idx3d.shape[1]
    n_outer = n_chunks // NBUF
    n_total = NW * n_chunks * CH
    mesh = plsc.VectorSubcoreMesh(core_axis_name="c", subcore_axis_name="s")

    @functools.partial(
        pl.kernel,
        mesh=mesh,
        out_type=jax.ShapeDtypeStruct((n_total, D_MODEL), jnp.float32),
        scratch_types=[
            pltpu.VMEM((n_chunks, CH), jnp.int32),
            pltpu.VMEM((NBUF, CH, D_MODEL), jnp.float32),
            pltpu.VMEM_SHARED((MAX_DAYS, D_MODEL), jnp.float32),
        ] + [pltpu.SemaphoreType.DMA] * (2 * NBUF),
    )
    def k(idx_hbm, pe_hbm, out_hbm, idx_v, rows_v, pe_sh, *sems):
        gsem = list(sems[:NBUF])
        osem = list(sems[NBUF:])
        sid = lax.axis_index("s")
        wid = sid * NC + lax.axis_index("c")
        base = wid * (n_chunks * CH)

        rows_per_sub = 232
        @pl.when(sid < NS - 1)
        def _stage_table():
            pltpu.sync_copy(
                pe_hbm.at[pl.ds(sid * rows_per_sub, rows_per_sub)],
                pe_sh.at[pl.ds(sid * rows_per_sub, rows_per_sub)])
        @pl.when(sid == NS - 1)
        def _stage_table_tail():
            tail = MAX_DAYS - (NS - 1) * rows_per_sub
            pltpu.sync_copy(
                pe_hbm.at[pl.ds((NS - 1) * rows_per_sub, tail)],
                pe_sh.at[pl.ds((NS - 1) * rows_per_sub, tail)])

        pltpu.sync_copy(idx_hbm.at[wid], idx_v)

        def clamp_row(i):
            for o in range(0, CH, 16):
                v = idx_v[i, pl.ds(o, 16)]
                idx_v[i, pl.ds(o, 16)] = jnp.minimum(jnp.abs(v), MAX_DAYS - 1)

        plsc.subcore_barrier()

        def outer(g, carry):
            handles = []
            for b in range(NBUF):
                j = g * NBUF + b
                @pl.when(g > 0)
                def _wait_out(b=b):
                    pltpu.make_async_copy(
                        rows_v.at[b],
                        out_hbm.at[pl.ds(base, CH)],
                        osem[b],
                    ).wait()
                clamp_row(j)
                handles.append(pltpu.async_copy(
                    pe_sh.at[idx_v.at[j]], rows_v.at[b], gsem[b]))
            for b in range(NBUF):
                j = g * NBUF + b
                handles[b].wait()
                pltpu.async_copy(
                    rows_v.at[b],
                    out_hbm.at[pl.ds(base + j * CH, CH)],
                    osem[b],
                )
            return carry
        lax.fori_loop(0, n_outer, outer, 0)

        for b in range(NBUF):
            pltpu.make_async_copy(
                rows_v.at[b],
                out_hbm.at[pl.ds(base, CH)],
                osem[b],
            ).wait()

    return k(idx3d, pe)


def kernel(days_offset, pe):
    batch, seq = days_offset.shape
    n = batch * seq
    idx3d = days_offset.T.astype(jnp.int32).reshape(NW, n // (NW * CH), CH)
    out = _sc_gather(idx3d, pe)
    return out.reshape(seq, batch, D_MODEL).transpose(1, 0, 2)

# --- scband reference (transcript-rebuilt; emitter-appended) ---
"""Pipeline reference for scband-sinusoidal-positional-encoding-9053791060336 (READ-ONLY COPY).

The authoritative reference and input builder live on the scoring server;
editing this copy changes nothing except your own understanding.
"""

import jax, jax.numpy as jnp
import numpy as np
import math

D_MODEL = 128
MAX_DAYS = 3650
BATCH = 4096
SEQ = 50

def _build_pe(d_model, max_days):
    position = jnp.arange(max_days, dtype=jnp.float32)[:, None]
    div_term = jnp.exp(jnp.arange(0, d_model, 2, dtype=jnp.float32) * (-math.log(10000.0) / d_model))
    pe = jnp.zeros((max_days, d_model), dtype=jnp.float32)
    pe = pe.at[:, 0::2].set(jnp.sin(position * div_term))
    pe = pe.at[:, 1::2].set(jnp.cos(position * div_term))
    return pe

def setup_inputs(seed: int = 0) -> dict:
    key = jax.random.key(seed)
    k1, _ = jax.random.split(key)
    # int64 per spec; jax may downcast to int32 without x64 enabled, which is fine for indexing
    days_offset = jax.random.randint(k1, (BATCH, SEQ), 0, MAX_DAYS)
    pe = _build_pe(D_MODEL, MAX_DAYS)
    return {"days_offset": days_offset, "pe": pe}

def reference(days_offset, pe):
    # indices = clamp(abs(days_offset), 0, max_days-1)
    indices = jnp.clip(jnp.abs(days_offset), 0, pe.shape[0] - 1)
    # embedding gather: pe[indices] -> [batch, seq, d_model]
    return jnp.take(pe, indices, axis=0)

if __name__ == "__main__":
    import jax
    _d = setup_inputs()
    print(jax.jit(kernel)(*tuple(_d.values())))

</pallas_src>

<mosaic_0001>
#map = affine_map<(d0, d1) -> (0, 0, 0)>
#map1 = affine_map<(d0, d1) -> (0, 0)>
module attributes {stable_mosaic.version = 14 : i64} {
  func.func @k(%arg0: i32, %arg1: i32, %arg2: memref<32x100x64xi32, #tpu.memory_space<hbm>>, %arg3: memref<3650x128xf32, #tpu.memory_space<hbm>>, %arg4: memref<204800x128xf32, #tpu.memory_space<hbm>>, %arg5: memref<100x64xi32, #tpu.memory_space<vmem>>, %arg6: memref<10x64x128xf32, #tpu.memory_space<vmem>>, %arg7: memref<3650x128xf32, #tpu.memory_space<vmem_shared>>, %arg8: memref<!tpu.dma_semaphore, #tpu.memory_space<semaphore_mem>>, %arg9: memref<!tpu.dma_semaphore, #tpu.memory_space<semaphore_mem>>, %arg10: memref<!tpu.dma_semaphore, #tpu.memory_space<semaphore_mem>>, %arg11: memref<!tpu.dma_semaphore, #tpu.memory_space<semaphore_mem>>, %arg12: memref<!tpu.dma_semaphore, #tpu.memory_space<semaphore_mem>>, %arg13: memref<!tpu.dma_semaphore, #tpu.memory_space<semaphore_mem>>, %arg14: memref<!tpu.dma_semaphore, #tpu.memory_space<semaphore_mem>>, %arg15: memref<!tpu.dma_semaphore, #tpu.memory_space<semaphore_mem>>, %arg16: memref<!tpu.dma_semaphore, #tpu.memory_space<semaphore_mem>>, %arg17: memref<!tpu.dma_semaphore, #tpu.memory_space<semaphore_mem>>, %arg18: memref<!tpu.dma_semaphore, #tpu.memory_space<semaphore_mem>>, %arg19: memref<!tpu.dma_semaphore, #tpu.memory_space<semaphore_mem>>, %arg20: memref<!tpu.dma_semaphore, #tpu.memory_space<semaphore_mem>>, %arg21: memref<!tpu.dma_semaphore, #tpu.memory_space<semaphore_mem>>, %arg22: memref<!tpu.dma_semaphore, #tpu.memory_space<semaphore_mem>>, %arg23: memref<!tpu.dma_semaphore, #tpu.memory_space<semaphore_mem>>, %arg24: memref<!tpu.dma_semaphore, #tpu.memory_space<semaphore_mem>>, %arg25: memref<!tpu.dma_semaphore, #tpu.memory_space<semaphore_mem>>, %arg26: memref<!tpu.dma_semaphore, #tpu.memory_space<semaphore_mem>>, %arg27: memref<!tpu.dma_semaphore, #tpu.memory_space<semaphore_mem>>) attributes {dimension_semantics = [#tpu.dimension_semantics<core_parallel>, #tpu.dimension_semantics<subcore_parallel>], iteration_bounds = array<i64: 2, 16>, scalar_prefetch = 0 : i64, scratch_operands = 23 : i64, tpu.core_type = #tpu.core_type<sc_vector_subcore>, window_params = [{transform_indices = #map}, {transform_indices = #map1}, {transform_indices = #map1}]} {
    %mul3A = arith.constant 2 : i32
    %mul3A_0 = arith.muli %arg1, %mul3A : i32
    %add3A = arith.addi %mul3A_0, %arg0 : i32
    %mul3A_1 = arith.constant 6400 : i32
    %mul3A_2 = arith.muli %add3A, %mul3A_1 : i32
    %lt3A = arith.constant 15 : i32
    %lt3A_3 = arith.cmpi slt, %arg1, %lt3A : i32
    %convert_element_type3A = arith.extui %lt3A_3 : i1 to i32
    %cond3A = arith.constant 0 : i32
    %cond3A_4 = arith.cmpi ne, %convert_element_type3A, %cond3A : i32
    scf.if %cond3A_4 {
      %mul3A_143 = arith.constant 232 : i32
      %mul3A_144 = arith.muli %arg1, %mul3A_143 : i32
      %mul3A_145 = arith.constant 232 : i32
      %mul3A_146 = arith.muli %arg1, %mul3A_145 : i32
      "tpu.region"() ({
        %run_scoped3A = tpu.sem_alloc : memref<!tpu.dma_semaphore, #tpu.memory_space<semaphore_mem>>
        %dma_start3A = arith.constant 0 : i32
        %dma_start3A_147 = tpu.memref_slice %arg7[%mul3A_146, %dma_start3A] : memref<3650x128xf32, #tpu.memory_space<vmem_shared>> -> memref<232x128xf32, #tpu.memory_space<vmem_shared>>
        %dma_start3A_148 = arith.constant 0 : i32
        %dma_start3A_149 = tpu.memref_slice %arg3[%mul3A_144, %dma_start3A_148] : memref<3650x128xf32, #tpu.memory_space<hbm>> -> memref<232x128xf32, #tpu.memory_space<hbm>>
        tpu.enqueue_dma source(%dma_start3A_149 : memref<232x128xf32, #tpu.memory_space<hbm>>) target(%dma_start3A_147 : memref<232x128xf32, #tpu.memory_space<vmem_shared>>) target_semaphore(%run_scoped3A : memref<!tpu.dma_semaphore, #tpu.memory_space<semaphore_mem>>)
        %dma_wait3A_150 = arith.constant 0 : i32
        %dma_wait3A_151 = tpu.memref_slice %arg7[%mul3A_146, %dma_wait3A_150] : memref<3650x128xf32, #tpu.memory_space<vmem_shared>> -> memref<232x128xf32, #tpu.memory_space<vmem_shared>>
        %dma_wait3A_152 = arith.constant 0 : i32
        %dma_wait3A_153 = tpu.memref_slice %arg3[%mul3A_144, %dma_wait3A_152] : memref<3650x128xf32, #tpu.memory_space<hbm>> -> memref<232x128xf32, #tpu.memory_space<hbm>>
        tpu.wait_dma2 semaphore(%run_scoped3A : memref<!tpu.dma_semaphore, #tpu.memory_space<semaphore_mem>>) src(%dma_wait3A_153 : memref<232x128xf32, #tpu.memory_space<hbm>>) dst(%dma_wait3A_151 : memref<232x128xf32, #tpu.memory_space<vmem_shared>>)
        tpu.yield
      }) : () -> ()
    } else {
    }
    %eq3A = arith.constant 15 : i32
    %eq3A_5 = arith.cmpi eq, %arg1, %eq3A : i32
    %convert_element_type3A_6 = arith.extui %eq3A_5 : i1 to i32
    %cond3A_7 = arith.constant 0 : i32
    %cond3A_8 = arith.cmpi ne, %convert_element_type3A_6, %cond3A_7 : i32
    scf.if %cond3A_8 {
      "tpu.region"() ({
        %run_scoped3A = tpu.sem_alloc : memref<!tpu.dma_semaphore, #tpu.memory_space<semaphore_mem>>
        %dma_start3A = arith.constant 3480 : i32
        %dma_start3A_143 = arith.constant 0 : i32
        %dma_start3A_144 = tpu.memref_slice %arg7[%dma_start3A, %dma_start3A_143] : memref<3650x128xf32, #tpu.memory_space<vmem_shared>> -> memref<170x128xf32, #tpu.memory_space<vmem_shared>>
        %dma_start3A_145 = arith.constant 3480 : i32
        %dma_start3A_146 = arith.constant 0 : i32
        %dma_start3A_147 = tpu.memref_slice %arg3[%dma_start3A_145, %dma_start3A_146] : memref<3650x128xf32, #tpu.memory_space<hbm>> -> memref<170x128xf32, #tpu.memory_space<hbm>>
        tpu.enqueue_dma source(%dma_start3A_147 : memref<170x128xf32, #tpu.memory_space<hbm>>) target(%dma_start3A_144 : memref<170x128xf32, #tpu.memory_space<vmem_shared>>) target_semaphore(%run_scoped3A : memref<!tpu.dma_semaphore, #tpu.memory_space<semaphore_mem>>)
        %dma_wait3A_148 = arith.constant 3480 : i32
        %dma_wait3A_149 = arith.constant 0 : i32
        %dma_wait3A_150 = tpu.memref_slice %arg7[%dma_wait3A_148, %dma_wait3A_149] : memref<3650x128xf32, #tpu.memory_space<vmem_shared>> -> memref<170x128xf32, #tpu.memory_space<vmem_shared>>
        %dma_wait3A_151 = arith.constant 3480 : i32
        %dma_wait3A_152 = arith.constant 0 : i32
        %dma_wait3A_153 = tpu.memref_slice %arg3[%dma_wait3A_151, %dma_wait3A_152] : memref<3650x128xf32, #tpu.memory_space<hbm>> -> memref<170x128xf32, #tpu.memory_space<hbm>>
        tpu.wait_dma2 semaphore(%run_scoped3A : memref<!tpu.dma_semaphore, #tpu.memory_space<semaphore_mem>>) src(%dma_wait3A_153 : memref<170x128xf32, #tpu.memory_space<hbm>>) dst(%dma_wait3A_150 : memref<170x128xf32, #tpu.memory_space<vmem_shared>>)
        tpu.yield
      }) : () -> ()
    } else {
    }
    "tpu.region"() ({
      %run_scoped3A = tpu.sem_alloc : memref<!tpu.dma_semaphore, #tpu.memory_space<semaphore_mem>>
      %dma_start3A = arith.constant 0 : i32
      %dma_start3A_143 = arith.constant 0 : i32
      %dma_start3A_144 = tpu.memref_slice %arg2[%add3A, %dma_start3A, %dma_start3A_143] : memref<32x100x64xi32, #tpu.memory_space<hbm>> -> memref<1x100x64xi32, #tpu.memory_space<hbm>>
      %dma_start3A_145 = tpu.memref_squeeze %dma_start3A_144 : memref<1x100x64xi32, #tpu.memory_space<hbm>> -> memref<100x64xi32, #tpu.memory_space<hbm>>
      %dma_start3A_146 = arith.constant 0 : i32
      %dma_start3A_147 = arith.constant 0 : i32
      %dma_start3A_148 = tpu.memref_slice %arg2[%add3A, %dma_start3A_146, %dma_start3A_147] : memref<32x100x64xi32, #tpu.memory_space<hbm>> -> memref<1x100x64xi32, #tpu.memory_space<hbm>>
      %dma_start3A_149 = tpu.memref_squeeze %dma_start3A_148 : memref<1x100x64xi32, #tpu.memory_space<hbm>> -> memref<100x64xi32, #tpu.memory_space<hbm>>
      tpu.enqueue_dma source(%dma_start3A_149 : memref<100x64xi32, #tpu.memory_space<hbm>>) target(%arg5 : memref<100x64xi32, #tpu.memory_space<vmem>>) target_semaphore(%run_scoped3A : memref<!tpu.dma_semaphore, #tpu.memory_space<semaphore_mem>>)
      %dma_wait3A_150 = arith.constant 0 : i32
      %dma_wait3A_151 = arith.constant 0 : i32
      %dma_wait3A_152 = tpu.memref_slice %arg2[%add3A, %dma_wait3A_150, %dma_wait3A_151] : memref<32x100x64xi32, #tpu.memory_space<hbm>> -> memref<1x100x64xi32, #tpu.memory_space<hbm>>
      %dma_wait3A_153 = tpu.memref_squeeze %dma_wait3A_152 : memref<1x100x64xi32, #tpu.memory_space<hbm>> -> memref<100x64xi32, #tpu.memory_space<hbm>>
      %dma_wait3A_154 = arith.constant 0 : i32
      %dma_wait3A_155 = arith.constant 0 : i32
      %dma_wait3A_156 = tpu.memref_slice %arg2[%add3A, %dma_wait3A_154, %dma_wait3A_155] : memref<32x100x64xi32, #tpu.memory_space<hbm>> -> memref<1x100x64xi32, #tpu.memory_space<hbm>>
      %dma_wait3A_157 = tpu.memref_squeeze %dma_wait3A_156 : memref<1x100x64xi32, #tpu.memory_space<hbm>> -> memref<100x64xi32, #tpu.memory_space<hbm>>
      tpu.wait_dma2 semaphore(%run_scoped3A : memref<!tpu.dma_semaphore, #tpu.memory_space<semaphore_mem>>) src(%dma_wait3A_157 : memref<100x64xi32, #tpu.memory_space<hbm>>) dst(%arg5 : memref<100x64xi32, #tpu.memory_space<vmem>>)
      tpu.yield
    }) : () -> ()
    %barrier3A = arith.constant 0 : index
    tpu.barrier barrier_id(%barrier3A)
    %scan3A = arith.constant 0 : i32
    %scan3A_9 = arith.constant 0 : i32
    %scan3A_10 = arith.constant 10 : i32
    %scan3A_11 = arith.addi %scan3A_9, %scan3A_10 : i32
    %scan3A_12 = arith.constant 1 : i32
    scf.for %scan3A_143 = %scan3A_9 to %scan3A_11 step %scan3A_12  : i32 {
      %mul3A_144 = arith.constant 10 : i32
      %mul3A_145 = arith.muli %scan3A_143, %mul3A_144 : i32
      %add3A_146 = arith.constant 0 : i32
      %add3A_147 = arith.addi %mul3A_145, %add3A_146 : i32
      %gt3A = arith.constant 0 : i32
      %gt3A_148 = arith.cmpi sgt, %scan3A_143, %gt3A : i32
      %convert_element_type3A_149 = arith.extui %gt3A_148 : i1 to i32
      %cond3A_150 = arith.constant 0 : i32
      %cond3A_151 = arith.cmpi ne, %convert_element_type3A_149, %cond3A_150 : i32
      scf.if %cond3A_151 {
        %dma_wait3A_1168 = arith.constant 0 : i32
        %dma_wait3A_1169 = arith.constant 0 : i32
        %dma_wait3A_1170 = arith.constant 0 : i32
        %dma_wait3A_1171 = tpu.memref_slice %arg6[%dma_wait3A_1168, %dma_wait3A_1169, %dma_wait3A_1170] : memref<10x64x128xf32, #tpu.memory_space<vmem>> -> memref<1x64x128xf32, #tpu.memory_space<vmem>>
        %dma_wait3A_1172 = tpu.memref_squeeze %dma_wait3A_1171 : memref<1x64x128xf32, #tpu.memory_space<vmem>> -> memref<64x128xf32, #tpu.memory_space<vmem>>
        %dma_wait3A_1173 = arith.constant 0 : i32
        %dma_wait3A_1174 = tpu.memref_slice %arg4[%mul3A_2, %dma_wait3A_1173] : memref<204800x128xf32, #tpu.memory_space<hbm>> -> memref<64x128xf32, #tpu.memory_space<hbm>>
        %dma_wait3A_1175 = arith.constant 0 : i32
        %dma_wait3A_1176 = tpu.memref_slice %arg4[%mul3A_2, %dma_wait3A_1175] : memref<204800x128xf32, #tpu.memory_space<hbm>> -> memref<64x128xf32, #tpu.memory_space<hbm>>
        %dma_wait3A_1177 = arith.constant 0 : i32
        %dma_wait3A_1178 = arith.constant 0 : i32
        %dma_wait3A_1179 = tpu.memref_slice %arg6[%dma_wait3A_1168, %dma_wait3A_1177, %dma_wait3A_1178] : memref<10x64x128xf32, #tpu.memory_space<vmem>> -> memref<1x64x128xf32, #tpu.memory_space<vmem>>
        %dma_wait3A_1180 = tpu.memref_squeeze %dma_wait3A_1179 : memref<1x64x128xf32, #tpu.memory_space<vmem>> -> memref<64x128xf32, #tpu.memory_space<vmem>>
        tpu.wait_dma2 semaphore(%arg18 : memref<!tpu.dma_semaphore, #tpu.memory_space<semaphore_mem>>) src(%dma_wait3A_1180 : memref<64x128xf32, #tpu.memory_space<vmem>>) dst(%dma_wait3A_1176 : memref<64x128xf32, #tpu.memory_space<hbm>>)
      } else {
      }
      %get3A = arith.index_cast %add3A_147 : i32 to index
      %get3A_152 = arith.constant 0 : index
      %get3A_153 = tpu.vector_load %arg5[%get3A, %get3A_152] {strides = array<i32>} : memref<100x64xi32, #tpu.memory_space<vmem>>, vector<1x16xi32>,
      %get3A_154 = vector.shape_cast %get3A_153 : vector<1x16xi32> to vector<16xi32>
      %abs3A = math.absi %get3A_154 : vector<16xi32>
      %min3A = arith.constant 3649 : i32
      %min3A_155 = vector.broadcast %min3A : i32 to vector<16xi32>
      %min3A_156 = arith.minsi %abs3A, %min3A_155 : vector<16xi32>
      %swap3A = arith.index_cast %add3A_147 : i32 to index
      %swap3A_157 = arith.constant 0 : index
      %swap3A_158 = tpu.vector_load %arg5[%swap3A, %swap3A_157] {strides = array<i32>} : memref<100x64xi32, #tpu.memory_space<vmem>>, vector<1x16xi32>,
      %swap3A_159 = vector.shape_cast %swap3A_158 : vector<1x16xi32> to vector<16xi32>
      %swap3A_160 = vector.shape_cast %min3A_156 : vector<16xi32> to vector<1x16xi32>
      tpu.vector_store %arg5[%swap3A, %swap3A_157], %swap3A_160 {strides = array<i32>} : memref<100x64xi32, #tpu.memory_space<vmem>>, vector<1x16xi32>,
      %get3A_161 = arith.index_cast %add3A_147 : i32 to index
      %get3A_162 = arith.constant 16 : index
      %get3A_163 = tpu.vector_load %arg5[%get3A_161, %get3A_162] {strides = array<i32>} : memref<100x64xi32, #tpu.memory_space<vmem>>, vector<1x16xi32>,
      %get3A_164 = vector.shape_cast %get3A_163 : vector<1x16xi32> to vector<16xi32>
      %abs3A_165 = math.absi %get3A_164 : vector<16xi32>
      %min3A_166 = arith.constant 3649 : i32
      %min3A_167 = vector.broadcast %min3A_166 : i32 to vector<16xi32>
      %min3A_168 = arith.minsi %abs3A_165, %min3A_167 : vector<16xi32>
      %swap3A_169 = arith.index_cast %add3A_147 : i32 to index
      %swap3A_170 = arith.constant 16 : index
      %swap3A_171 = tpu.vector_load %arg5[%swap3A_169, %swap3A_170] {strides = array<i32>} : memref<100x64xi32, #tpu.memory_space<vmem>>, vector<1x16xi32>,
      %swap3A_172 = vector.shape_cast %swap3A_171 : vector<1x16xi32> to vector<16xi32>
      %swap3A_173 = vector.shape_cast %min3A_168 : vector<16xi32> to vector<1x16xi32>
      tpu.vector_store %arg5[%swap3A_169, %swap3A_170], %swap3A_173 {strides = array<i32>} : memref<100x64xi32, #tpu.memory_space<vmem>>, vector<1x16xi32>,
      %get3A_174 = arith.index_cast %add3A_147 : i32 to index
      %get3A_175 = arith.constant 32 : index
      %get3A_176 = tpu.vector_load %arg5[%get3A_174, %get3A_175] {strides = array<i32>} : memref<100x64xi32, #tpu.memory_space<vmem>>, vector<1x16xi32>,
      %get3A_177 = vector.shape_cast %get3A_176 : vector<1x16xi32> to vector<16xi32>
      %abs3A_178 = math.absi %get3A_177 : vector<16xi32>
      %min3A_179 = arith.constant 3649 : i32
      %min3A_180 = vector.broadcast %min3A_179 : i32 to vector<16xi32>
      %min3A_181 = arith.minsi %abs3A_178, %min3A_180 : vector<16xi32>
      %swap3A_182 = arith.index_cast %add3A_147 : i32 to index
      %swap3A_183 = arith.constant 32 : index
      %swap3A_184 = tpu.vector_load %arg5[%swap3A_182, %swap3A_183] {strides = array<i32>} : memref<100x64xi32, #tpu.memory_space<vmem>>, vector<1x16xi32>,
      %swap3A_185 = vector.shape_cast %swap3A_184 : vector<1x16xi32> to vector<16xi32>
      %swap3A_186 = vector.shape_cast %min3A_181 : vector<16xi32> to vector<1x16xi32>
      tpu.vector_store %arg5[%swap3A_182, %swap3A_183], %swap3A_186 {strides = array<i32>} : memref<100x64xi32, #tpu.memory_space<vmem>>, vector<1x16xi32>,
      %get3A_187 = arith.index_cast %add3A_147 : i32 to index
      %get3A_188 = arith.constant 48 : index
      %get3A_189 = tpu.vector_load %arg5[%get3A_187, %get3A_188] {strides = array<i32>} : memref<100x64xi32, #tpu.memory_space<vmem>>, vector<1x16xi32>,
      %get3A_190 = vector.shape_cast %get3A_189 : vector<1x16xi32> to vector<16xi32>
      %abs3A_191 = math.absi %get3A_190 : vector<16xi32>
      %min3A_192 = arith.constant 3649 : i32
      %min3A_193 = vector.broadcast %min3A_192 : i32 to vector<16xi32>
      %min3A_194 = arith.minsi %abs3A_191, %min3A_193 : vector<16xi32>
      %swap3A_195 = arith.index_cast %add3A_147 : i32 to index
      %swap3A_196 = arith.constant 48 : index
      %swap3A_197 = tpu.vector_load %arg5[%swap3A_195, %swap3A_196] {strides = array<i32>} : memref<100x64xi32, #tpu.memory_space<vmem>>, vector<1x16xi32>,
      %swap3A_198 = vector.shape_cast %swap3A_197 : vector<1x16xi32> to vector<16xi32>
      %swap3A_199 = vector.shape_cast %min3A_194 : vector<16xi32> to vector<1x16xi32>
      tpu.vector_store %arg5[%swap3A_195, %swap3A_196], %swap3A_199 {strides = array<i32>} : memref<100x64xi32, #tpu.memory_space<vmem>>, vector<1x16xi32>,
      %dma_start3A = arith.constant 0 : i32
      %dma_start3A_200 = arith.constant 0 : i32
      %dma_start3A_201 = arith.constant 0 : i32
      %dma_start3A_202 = tpu.memref_slice %arg6[%dma_start3A, %dma_start3A_200, %dma_start3A_201] : memref<10x64x128xf32, #tpu.memory_space<vmem>> -> memref<1x64x128xf32, #tpu.memory_space<vmem>>
      %dma_start3A_203 = tpu.memref_squeeze %dma_start3A_202 : memref<1x64x128xf32, #tpu.memory_space<vmem>> -> memref<64x128xf32, #tpu.memory_space<vmem>>
      %dma_start3A_204 = arith.constant 0 : i32
      %dma_start3A_205 = tpu.memref_slice %arg5[%add3A_147, %dma_start3A_204] : memref<100x64xi32, #tpu.memory_space<vmem>> -> memref<1x64xi32, #tpu.memory_space<vmem>>
      %dma_start3A_206 = tpu.memref_squeeze %dma_start3A_205 : memref<1x64xi32, #tpu.memory_space<vmem>> -> memref<64xi32, #tpu.memory_space<vmem>>
      %dma_start3A_207 = arith.constant 0 : i32
      %dma_start3A_208 = arith.constant 0 : i32
      %dma_start3A_209 = tpu.memref_slice %arg7[%dma_start3A_207, %dma_start3A_208] : memref<3650x128xf32, #tpu.memory_space<vmem_shared>> -> memref<3650x128xf32, #tpu.memory_space<vmem_shared>>
      tpu.enqueue_indirect_dma source(%dma_start3A_209 : memref<3650x128xf32, #tpu.memory_space<vmem_shared>>) target(%dma_start3A_203 : memref<64x128xf32, #tpu.memory_space<vmem>>) offsets(%dma_start3A_206 : memref<64xi32, #tpu.memory_space<vmem>>) semaphore(%arg8 : memref<!tpu.dma_semaphore, #tpu.memory_space<semaphore_mem>>)
      %mul3A_210 = arith.constant 10 : i32
      %mul3A_211 = arith.muli %scan3A_143, %mul3A_210 : i32
      %add3A_212 = arith.constant 1 : i32
      %add3A_213 = arith.addi %mul3A_211, %add3A_212 : i32
      %gt3A_214 = arith.constant 0 : i32
      %gt3A_215 = arith.cmpi sgt, %scan3A_143, %gt3A_214 : i32
      %convert_element_type3A_216 = arith.extui %gt3A_215 : i1 to i32
      %cond3A_217 = arith.constant 0 : i32
      %cond3A_218 = arith.cmpi ne, %convert_element_type3A_216, %cond3A_217 : i32
      scf.if %cond3A_218 {
        %dma_wait3A_1168 = arith.constant 1 : i32
        %dma_wait3A_1169 = arith.constant 0 : i32
        %dma_wait3A_1170 = arith.constant 0 : i32
        %dma_wait3A_1171 = tpu.memref_slice %arg6[%dma_wait3A_1168, %dma_wait3A_1169, %dma_wait3A_1170] : memref<10x64x128xf32, #tpu.memory_space<vmem>> -> memref<1x64x128xf32, #tpu.memory_space<vmem>>
        %dma_wait3A_1172 = tpu.memref_squeeze %dma_wait3A_1171 : memref<1x64x128xf32, #tpu.memory_space<vmem>> -> memref<64x128xf32, #tpu.memory_space<vmem>>
        %dma_wait3A_1173 = arith.constant 0 : i32
        %dma_wait3A_1174 = tpu.memref_slice %arg4[%mul3A_2, %dma_wait3A_1173] : memref<204800x128xf32, #tpu.memory_space<hbm>> -> memref<64x128xf32, #tpu.memory_space<hbm>>
        %dma_wait3A_1175 = arith.constant 0 : i32
        %dma_wait3A_1176 = tpu.memref_slice %arg4[%mul3A_2, %dma_wait3A_1175] : memref<204800x128xf32, #tpu.memory_space<hbm>> -> memref<64x128xf32, #tpu.memory_space<hbm>>
        %dma_wait3A_1177 = arith.constant 0 : i32
        %dma_wait3A_1178 = arith.constant 0 : i32
        %dma_wait3A_1179 = tpu.memref_slice %arg6[%dma_wait3A_1168, %dma_wait3A_1177, %dma_wait3A_1178] : memref<10x64x128xf32, #tpu.memory_space<vmem>> -> memref<1x64x128xf32, #tpu.memory_space<vmem>>
        %dma_wait3A_1180 = tpu.memref_squeeze %dma_wait3A_1179 : memref<1x64x128xf32, #tpu.memory_space<vmem>> -> memref<64x128xf32, #tpu.memory_space<vmem>>
        tpu.wait_dma2 semaphore(%arg19 : memref<!tpu.dma_semaphore, #tpu.memory_space<semaphore_mem>>) src(%dma_wait3A_1180 : memref<64x128xf32, #tpu.memory_space<vmem>>) dst(%dma_wait3A_1176 : memref<64x128xf32, #tpu.memory_space<hbm>>)
      } else {
      }
      %get3A_219 = arith.index_cast %add3A_213 : i32 to index
      %get3A_220 = arith.constant 0 : index
      %get3A_221 = tpu.vector_load %arg5[%get3A_219, %get3A_220] {strides = array<i32>} : memref<100x64xi32, #tpu.memory_space<vmem>>, vector<1x16xi32>,
      %get3A_222 = vector.shape_cast %get3A_221 : vector<1x16xi32> to vector<16xi32>
      %abs3A_223 = math.absi %get3A_222 : vector<16xi32>
      %min3A_224 = arith.constant 3649 : i32
      %min3A_225 = vector.broadcast %min3A_224 : i32 to vector<16xi32>
      %min3A_226 = arith.minsi %abs3A_223, %min3A_225 : vector<16xi32>
      %swap3A_227 = arith.index_cast %add3A_213 : i32 to index
      %swap3A_228 = arith.constant 0 : index
      %swap3A_229 = tpu.vector_load %arg5[%swap3A_227, %swap3A_228] {strides = array<i32>} : memref<100x64xi32, #tpu.memory_space<vmem>>, vector<1x16xi32>,
      %swap3A_230 = vector.shape_cast %swap3A_229 : vector<1x16xi32> to vector<16xi32>
      %swap3A_231 = vector.shape_cast %min3A_226 : vector<16xi32> to vector<1x16xi32>
      tpu.vector_store %arg5[%swap3A_227, %swap3A_228], %swap3A_231 {strides = array<i32>} : memref<100x64xi32, #tpu.memory_space<vmem>>, vector<1x16xi32>,
      %get3A_232 = arith.index_cast %add3A_213 : i32 to index
      %get3A_233 = arith.constant 16 : index
      %get3A_234 = tpu.vector_load %arg5[%get3A_232, %get3A_233] {strides = array<i32>} : memref<100x64xi32, #tpu.memory_space<vmem>>, vector<1x16xi32>,
      %get3A_235 = vector.shape_cast %get3A_234 : vector<1x16xi32> to vector<16xi32>
      %abs3A_236 = math.absi %get3A_235 : vector<16xi32>
      %min3A_237 = arith.constant 3649 : i32
      %min3A_238 = vector.broadcast %min3A_237 : i32 to vector<16xi32>
      %min3A_239 = arith.minsi %abs3A_236, %min3A_238 : vector<16xi32>
      %swap3A_240 = arith.index_cast %add3A_213 : i32 to index
      %swap3A_241 = arith.constant 16 : index
      %swap3A_242 = tpu.vector_load %arg5[%swap3A_240, %swap3A_241] {strides = array<i32>} : memref<100x64xi32, #tpu.memory_space<vmem>>, vector<1x16xi32>,
      %swap3A_243 = vector.shape_cast %swap3A_242 : vector<1x16xi32> to vector<16xi32>
      %swap3A_244 = vector.shape_cast %min3A_239 : vector<16xi32> to vector<1x16xi32>
      tpu.vector_store %arg5[%swap3A_240, %swap3A_241], %swap3A_244 {strides = array<i32>} : memref<100x64xi32, #tpu.memory_space<vmem>>, vector<1x16xi32>,
      %get3A_245 = arith.index_cast %add3A_213 : i32 to index
      %get3A_246 = arith.constant 32 : index
      %get3A_247 = tpu.vector_load %arg5[%get3A_245, %get3A_246] {strides = array<i32>} : memref<100x64xi32, #tpu.memory_space<vmem>>, vector<1x16xi32>,
      %get3A_248 = vector.shape_cast %get3A_247 : vector<1x16xi32> to vector<16xi32>
      %abs3A_249 = math.absi %get3A_248 : vector<16xi32>
      %min3A_250 = arith.constant 3649 : i32
      %min3A_251 = vector.broadcast %min3A_250 : i32 to vector<16xi32>
      %min3A_252 = arith.minsi %abs3A_249, %min3A_251 : vector<16xi32>
      %swap3A_253 = arith.index_cast %add3A_213 : i32 to index
      %swap3A_254 = arith.constant 32 : index
      %swap3A_255 = tpu.vector_load %arg5[%swap3A_253, %swap3A_254] {strides = array<i32>} : memref<100x64xi32, #tpu.memory_space<vmem>>, vector<1x16xi32>,
      %swap3A_256 = vector.shape_cast %swap3A_255 : vector<1x16xi32> to vector<16xi32>
      %swap3A_257 = vector.shape_cast %min3A_252 : vector<16xi32> to vector<1x16xi32>
      tpu.vector_store %arg5[%swap3A_253, %swap3A_254], %swap3A_257 {strides = array<i32>} : memref<100x64xi32, #tpu.memory_space<vmem>>, vector<1x16xi32>,
      %get3A_258 = arith.index_cast %add3A_213 : i32 to index
      %get3A_259 = arith.constant 48 : index
      %get3A_260 = tpu.vector_load %arg5[%get3A_258, %get3A_259] {strides = array<i32>} : memref<100x64xi32, #tpu.memory_space<vmem>>, vector<1x16xi32>,
      %get3A_261 = vector.shape_cast %get3A_260 : vector<1x16xi32> to vector<16xi32>
      %abs3A_262 = math.absi %get3A_261 : vector<16xi32>
      %min3A_263 = arith.constant 3649 : i32
      %min3A_264 = vector.broadcast %min3A_263 : i32 to vector<16xi32>
      %min3A_265 = arith.minsi %abs3A_262, %min3A_264 : vector<16xi32>
      %swap3A_266 = arith.index_cast %add3A_213 : i32 to index
      %swap3A_267 = arith.constant 48 : index
      %swap3A_268 = tpu.vector_load %arg5[%swap3A_266, %swap3A_267] {strides = array<i32>} : memref<100x64xi32, #tpu.memory_space<vmem>>, vector<1x16xi32>,
      %swap3A_269 = vector.shape_cast %swap3A_268 : vector<1x16xi32> to vector<16xi32>
      %swap3A_270 = vector.shape_cast %min3A_265 : vector<16xi32> to vector<1x16xi32>
      tpu.vector_store %arg5[%swap3A_266, %swap3A_267], %swap3A_270 {strides = array<i32>} : memref<100x64xi32, #tpu.memory_space<vmem>>, vector<1x16xi32>,
      %dma_start3A_271 = arith.constant 1 : i32
      %dma_start3A_272 = arith.constant 0 : i32
      %dma_start3A_273 = arith.constant 0 : i32
      %dma_start3A_274 = tpu.memref_slice %arg6[%dma_start3A_271, %dma_start3A_272, %dma_start3A_273] : memref<10x64x128xf32, #tpu.memory_space<vmem>> -> memref<1x64x128xf32, #tpu.memory_space<vmem>>
      %dma_start3A_275 = tpu.memref_squeeze %dma_start3A_274 : memref<1x64x128xf32, #tpu.memory_space<vmem>> -> memref<64x128xf32, #tpu.memory_space<vmem>>
      %dma_start3A_276 = arith.constant 0 : i32
      %dma_start3A_277 = tpu.memref_slice %arg5[%add3A_213, %dma_start3A_276] : memref<100x64xi32, #tpu.memory_space<vmem>> -> memref<1x64xi32, #tpu.memory_space<vmem>>
      %dma_start3A_278 = tpu.memref_squeeze %dma_start3A_277 : memref<1x64xi32, #tpu.memory_space<vmem>> -> memref<64xi32, #tpu.memory_space<vmem>>
      %dma_start3A_279 = arith.constant 0 : i32
      %dma_start3A_280 = arith.constant 0 : i32
      %dma_start3A_281 = tpu.memref_slice %arg7[%dma_start3A_279, %dma_start3A_280] : memref<3650x128xf32, #tpu.memory_space<vmem_shared>> -> memref<3650x128xf32, #tpu.memory_space<vmem_shared>>
      tpu.enqueue_indirect_dma source(%dma_start3A_281 : memref<3650x128xf32, #tpu.memory_space<vmem_shared>>) target(%dma_start3A_275 : memref<64x128xf32, #tpu.memory_space<vmem>>) offsets(%dma_start3A_278 : memref<64xi32, #tpu.memory_space<vmem>>) semaphore(%arg9 : memref<!tpu.dma_semaphore, #tpu.memory_space<semaphore_mem>>)
      %mul3A_282 = arith.constant 10 : i32
      %mul3A_283 = arith.muli %scan3A_143, %mul3A_282 : i32
      %add3A_284 = arith.constant 2 : i32
      %add3A_285 = arith.addi %mul3A_283, %add3A_284 : i32
      %gt3A_286 = arith.constant 0 : i32
      %gt3A_287 = arith.cmpi sgt, %scan3A_143, %gt3A_286 : i32
      %convert_element_type3A_288 = arith.extui %gt3A_287 : i1 to i32
      %cond3A_289 = arith.constant 0 : i32
      %cond3A_290 = arith.cmpi ne, %convert_element_type3A_288, %cond3A_289 : i32
      scf.if %cond3A_290 {
        %dma_wait3A_1168 = arith.constant 2 : i32
        %dma_wait3A_1169 = arith.constant 0 : i32
        %dma_wait3A_1170 = arith.constant 0 : i32
        %dma_wait3A_1171 = tpu.memref_slice %arg6[%dma_wait3A_1168, %dma_wait3A_1169, %dma_wait3A_1170] : memref<10x64x128xf32, #tpu.memory_space<vmem>> -> memref<1x64x128xf32, #tpu.memory_space<vmem>>
        %dma_wait3A_1172 = tpu.memref_squeeze %dma_wait3A_1171 : memref<1x64x128xf32, #tpu.memory_space<vmem>> -> memref<64x128xf32, #tpu.memory_space<vmem>>
        %dma_wait3A_1173 = arith.constant 0 : i32
        %dma_wait3A_1174 = tpu.memref_slice %arg4[%mul3A_2, %dma_wait3A_1173] : memref<204800x128xf32, #tpu.memory_space<hbm>> -> memref<64x128xf32, #tpu.memory_space<hbm>>
        %dma_wait3A_1175 = arith.constant 0 : i32
        %dma_wait3A_1176 = tpu.memref_slice %arg4[%mul3A_2, %dma_wait3A_1175] : memref<204800x128xf32, #tpu.memory_space<hbm>> -> memref<64x128xf32, #tpu.memory_space<hbm>>
        %dma_wait3A_1177 = arith.constant 0 : i32
        %dma_wait3A_1178 = arith.constant 0 : i32
        %dma_wait3A_1179 = tpu.memref_slice %arg6[%dma_wait3A_1168, %dma_wait3A_1177, %dma_wait3A_1178] : memref<10x64x128xf32, #tpu.memory_space<vmem>> -> memref<1x64x128xf32, #tpu.memory_space<vmem>>
        %dma_wait3A_1180 = tpu.memref_squeeze %dma_wait3A_1179 : memref<1x64x128xf32, #tpu.memory_space<vmem>> -> memref<64x128xf32, #tpu.memory_space<vmem>>
        tpu.wait_dma2 semaphore(%arg20 : memref<!tpu.dma_semaphore, #tpu.memory_space<semaphore_mem>>) src(%dma_wait3A_1180 : memref<64x128xf32, #tpu.memory_space<vmem>>) dst(%dma_wait3A_1176 : memref<64x128xf32, #tpu.memory_space<hbm>>)
      } else {
      }
      %get3A_291 = arith.index_cast %add3A_285 : i32 to index
      %get3A_292 = arith.constant 0 : index
      %get3A_293 = tpu.vector_load %arg5[%get3A_291, %get3A_292] {strides = array<i32>} : memref<100x64xi32, #tpu.memory_space<vmem>>, vector<1x16xi32>,
      %get3A_294 = vector.shape_cast %get3A_293 : vector<1x16xi32> to vector<16xi32>
      %abs3A_295 = math.absi %get3A_294 : vector<16xi32>
      %min3A_296 = arith.constant 3649 : i32
      %min3A_297 = vector.broadcast %min3A_296 : i32 to vector<16xi32>
      %min3A_298 = arith.minsi %abs3A_295, %min3A_297 : vector<16xi32>
      %swap3A_299 = arith.index_cast %add3A_285 : i32 to index
      %swap3A_300 = arith.constant 0 : index
      %swap3A_301 = tpu.vector_load %arg5[%swap3A_299, %swap3A_300] {strides = array<i32>} : memref<100x64xi32, #tpu.memory_space<vmem>>, vector<1x16xi32>,
      %swap3A_302 = vector.shape_cast %swap3A_301 : vector<1x16xi32> to vector<16xi32>
      %swap3A_303 = vector.shape_cast %min3A_298 : vector<16xi32> to vector<1x16xi32>
      tpu.vector_store %arg5[%swap3A_299, %swap3A_300], %swap3A_303 {strides = array<i32>} : memref<100x64xi32, #tpu.memory_space<vmem>>, vector<1x16xi32>,
      %get3A_304 = arith.index_cast %add3A_285 : i32 to index
      %get3A_305 = arith.constant 16 : index
      %get3A_306 = tpu.vector_load %arg5[%get3A_304, %get3A_305] {strides = array<i32>} : memref<100x64xi32, #tpu.memory_space<vmem>>, vector<1x16xi32>,
      %get3A_307 = vector.shape_cast %get3A_306 : vector<1x16xi32> to vector<16xi32>
      %abs3A_308 = math.absi %get3A_307 : vector<16xi32>
      %min3A_309 = arith.constant 3649 : i32
      %min3A_310 = vector.broadcast %min3A_309 : i32 to vector<16xi32>
      %min3A_311 = arith.minsi %abs3A_308, %min3A_310 : vector<16xi32>
      %swap3A_312 = arith.index_cast %add3A_285 : i32 to index
      %swap3A_313 = arith.constant 16 : index
      %swap3A_314 = tpu.vector_load %arg5[%swap3A_312, %swap3A_313] {strides = array<i32>} : memref<100x64xi32, #tpu.memory_space<vmem>>, vector<1x16xi32>,
      %swap3A_315 = vector.shape_cast %swap3A_314 : vector<1x16xi32> to vector<16xi32>
      %swap3A_316 = vector.shape_cast %min3A_311 : vector<16xi32> to vector<1x16xi32>
      tpu.vector_store %arg5[%swap3A_312, %swap3A_313], %swap3A_316 {strides = array<i32>} : memref<100x64xi32, #tpu.memory_space<vmem>>, vector<1x16xi32>,
      %get3A_317 = arith.index_cast %add3A_285 : i32 to index
      %get3A_318 = arith.constant 32 : index
      %get3A_319 = tpu.vector_load %arg5[%get3A_317, %get3A_318] {strides = array<i32>} : memref<100x64xi32, #tpu.memory_space<vmem>>, vector<1x16xi32>,
      %get3A_320 = vector.shape_cast %get3A_319 : vector<1x16xi32> to vector<16xi32>
      %abs3A_321 = math.absi %get3A_320 : vector<16xi32>
      %min3A_322 = arith.constant 3649 : i32
      %min3A_323 = vector.broadcast %min3A_322 : i32 to vector<16xi32>
      %min3A_324 = arith.minsi %abs3A_321, %min3A_323 : vector<16xi32>
      %swap3A_325 = arith.index_cast %add3A_285 : i32 to index
      %swap3A_326 = arith.constant 32 : index
      %swap3A_327 = tpu.vector_load %arg5[%swap3A_325, %swap3A_326] {strides = array<i32>} : memref<100x64xi32, #tpu.memory_space<vmem>>, vector<1x16xi32>,
      %swap3A_328 = vector.shape_cast %swap3A_327 : vector<1x16xi32> to vector<16xi32>
      %swap3A_329 = vector.shape_cast %min3A_324 : vector<16xi32> to vector<1x16xi32>
      tpu.vector_store %arg5[%swap3A_325, %swap3A_326], %swap3A_329 {strides = array<i32>} : memref<100x64xi32, #tpu.memory_space<vmem>>, vector<1x16xi32>,
      %get3A_330 = arith.index_cast %add3A_285 : i32 to index
      %get3A_331 = arith.constant 48 : index
      %get3A_332 = tpu.vector_load %arg5[%get3A_330, %get3A_331] {strides = array<i32>} : memref<100x64xi32, #tpu.memory_space<vmem>>, vector<1x16xi32>,
      %get3A_333 = vector.shape_cast %get3A_332 : vector<1x16xi32> to vector<16xi32>
      %abs3A_334 = math.absi %get3A_333 : vector<16xi32>
      %min3A_335 = arith.constant 3649 : i32
      %min3A_336 = vector.broadcast %min3A_335 : i32 to vector<16xi32>
      %min3A_337 = arith.minsi %abs3A_334, %min3A_336 : vector<16xi32>
      %swap3A_338 = arith.index_cast %add3A_285 : i32 to index
      %swap3A_339 = arith.constant 48 : index
      %swap3A_340 = tpu.vector_load %arg5[%swap3A_338, %swap3A_339] {strides = array<i32>} : memref<100x64xi32, #tpu.memory_space<vmem>>, vector<1x16xi32>,
      %swap3A_341 = vector.shape_cast %swap3A_340 : vector<1x16xi32> to vector<16xi32>
      %swap3A_342 = vector.shape_cast %min3A_337 : vector<16xi32> to vector<1x16xi32>
      tpu.vector_store %arg5[%swap3A_338, %swap3A_339], %swap3A_342 {strides = array<i32>} : memref<100x64xi32, #tpu.memory_space<vmem>>, vector<1x16xi32>,
      %dma_start3A_343 = arith.constant 2 : i32
      %dma_start3A_344 = arith.constant 0 : i32
      %dma_start3A_345 = arith.constant 0 : i32
      %dma_start3A_346 = tpu.memref_slice %arg6[%dma_start3A_343, %dma_start3A_344, %dma_start3A_345] : memref<10x64x128xf32, #tpu.memory_space<vmem>> -> memref<1x64x128xf32, #tpu.memory_space<vmem>>
      %dma_start3A_347 = tpu.memref_squeeze %dma_start3A_346 : memref<1x64x128xf32, #tpu.memory_space<vmem>> -> memref<64x128xf32, #tpu.memory_space<vmem>>
      %dma_start3A_348 = arith.constant 0 : i32
      %dma_start3A_349 = tpu.memref_slice %arg5[%add3A_285, %dma_start3A_348] : memref<100x64xi32, #tpu.memory_space<vmem>> -> memref<1x64xi32, #tpu.memory_space<vmem>>
      %dma_start3A_350 = tpu.memref_squeeze %dma_start3A_349 : memref<1x64xi32, #tpu.memory_space<vmem>> -> memref<64xi32, #tpu.memory_space<vmem>>
      %dma_start3A_351 = arith.constant 0 : i32
      %dma_start3A_352 = arith.constant 0 : i32
      %dma_start3A_353 = tpu.memref_slice %arg7[%dma_start3A_351, %dma_start3A_352] : memref<3650x128xf32, #tpu.memory_space<vmem_shared>> -> memref<3650x128xf32, #tpu.memory_space<vmem_shared>>
      tpu.enqueue_indirect_dma source(%dma_start3A_353 : memref<3650x128xf32, #tpu.memory_space<vmem_shared>>) target(%dma_start3A_347 : memref<64x128xf32, #tpu.memory_space<vmem>>) offsets(%dma_start3A_350 : memref<64xi32, #tpu.memory_space<vmem>>) semaphore(%arg10 : memref<!tpu.dma_semaphore, #tpu.memory_space<semaphore_mem>>)
      %mul3A_354 = arith.constant 10 : i32
      %mul3A_355 = arith.muli %scan3A_143, %mul3A_354 : i32
      %add3A_356 = arith.constant 3 : i32
      %add3A_357 = arith.addi %mul3A_355, %add3A_356 : i32
      %gt3A_358 = arith.constant 0 : i32
      %gt3A_359 = arith.cmpi sgt, %scan3A_143, %gt3A_358 : i32
      %convert_element_type3A_360 = arith.extui %gt3A_359 : i1 to i32
      %cond3A_361 = arith.constant 0 : i32
      %cond3A_362 = arith.cmpi ne, %convert_element_type3A_360, %cond3A_361 : i32
      scf.if %cond3A_362 {
        %dma_wait3A_1168 = arith.constant 3 : i32
        %dma_wait3A_1169 = arith.constant 0 : i32
        %dma_wait3A_1170 = arith.constant 0 : i32
        %dma_wait3A_1171 = tpu.memref_slice %arg6[%dma_wait3A_1168, %dma_wait3A_1169, %dma_wait3A_1170] : memref<10x64x128xf32, #tpu.memory_space<vmem>> -> memref<1x64x128xf32, #tpu.memory_space<vmem>>
        %dma_wait3A_1172 = tpu.memref_squeeze %dma_wait3A_1171 : memref<1x64x128xf32, #tpu.memory_space<vmem>> -> memref<64x128xf32, #tpu.memory_space<vmem>>
        %dma_wait3A_1173 = arith.constant 0 : i32
        %dma_wait3A_1174 = tpu.memref_slice %arg4[%mul3A_2, %dma_wait3A_1173] : memref<204800x128xf32, #tpu.memory_space<hbm>> -> memref<64x128xf32, #tpu.memory_space<hbm>>
        %dma_wait3A_1175 = arith.constant 0 : i32
        %dma_wait3A_1176 = tpu.memref_slice %arg4[%mul3A_2, %dma_wait3A_1175] : memref<204800x128xf32, #tpu.memory_space<hbm>> -> memref<64x128xf32, #tpu.memory_space<hbm>>
        %dma_wait3A_1177 = arith.constant 0 : i32
        %dma_wait3A_1178 = arith.constant 0 : i32
        %dma_wait3A_1179 = tpu.memref_slice %arg6[%dma_wait3A_1168, %dma_wait3A_1177, %dma_wait3A_1178] : memref<10x64x128xf32, #tpu.memory_space<vmem>> -> memref<1x64x128xf32, #tpu.memory_space<vmem>>
        %dma_wait3A_1180 = tpu.memref_squeeze %dma_wait3A_1179 : memref<1x64x128xf32, #tpu.memory_space<vmem>> -> memref<64x128xf32, #tpu.memory_space<vmem>>
        tpu.wait_dma2 semaphore(%arg21 : memref<!tpu.dma_semaphore, #tpu.memory_space<semaphore_mem>>) src(%dma_wait3A_1180 : memref<64x128xf32, #tpu.memory_space<vmem>>) dst(%dma_wait3A_1176 : memref<64x128xf32, #tpu.memory_space<hbm>>)
      } else {
      }
      %get3A_363 = arith.index_cast %add3A_357 : i32 to index
      %get3A_364 = arith.constant 0 : index
      %get3A_365 = tpu.vector_load %arg5[%get3A_363, %get3A_364] {strides = array<i32>} : memref<100x64xi32, #tpu.memory_space<vmem>>, vector<1x16xi32>,
      %get3A_366 = vector.shape_cast %get3A_365 : vector<1x16xi32> to vector<16xi32>
      %abs3A_367 = math.absi %get3A_366 : vector<16xi32>
      %min3A_368 = arith.constant 3649 : i32
      %min3A_369 = vector.broadcast %min3A_368 : i32 to vector<16xi32>
      %min3A_370 = arith.minsi %abs3A_367, %min3A_369 : vector<16xi32>
      %swap3A_371 = arith.index_cast %add3A_357 : i32 to index
      %swap3A_372 = arith.constant 0 : index
      %swap3A_373 = tpu.vector_load %arg5[%swap3A_371, %swap3A_372] {strides = array<i32>} : memref<100x64xi32, #tpu.memory_space<vmem>>, vector<1x16xi32>,
      %swap3A_374 = vector.shape_cast %swap3A_373 : vector<1x16xi32> to vector<16xi32>
      %swap3A_375 = vector.shape_cast %min3A_370 : vector<16xi32> to vector<1x16xi32>
      tpu.vector_store %arg5[%swap3A_371, %swap3A_372], %swap3A_375 {strides = array<i32>} : memref<100x64xi32, #tpu.memory_space<vmem>>, vector<1x16xi32>,
      %get3A_376 = arith.index_cast %add3A_357 : i32 to index
      %get3A_377 = arith.constant 16 : index
      %get3A_378 = tpu.vector_load %arg5[%get3A_376, %get3A_377] {strides = array<i32>} : memref<100x64xi32, #tpu.memory_space<vmem>>, vector<1x16xi32>,
      %get3A_379 = vector.shape_cast %get3A_378 : vector<1x16xi32> to vector<16xi32>
      %abs3A_380 = math.absi %get3A_379 : vector<16xi32>
      %min3A_381 = arith.constant 3649 : i32
      %min3A_382 = vector.broadcast %min3A_381 : i32 to vector<16xi32>
      %min3A_383 = arith.minsi %abs3A_380, %min3A_382 : vector<16xi32>
      %swap3A_384 = arith.index_cast %add3A_357 : i32 to index
      %swap3A_385 = arith.constant 16 : index
      %swap3A_386 = tpu.vector_load %arg5[%swap3A_384, %swap3A_385] {strides = array<i32>} : memref<100x64xi32, #tpu.memory_space<vmem>>, vector<1x16xi32>,
      %swap3A_387 = vector.shape_cast %swap3A_386 : vector<1x16xi32> to vector<16xi32>
      %swap3A_388 = vector.shape_cast %min3A_383 : vector<16xi32> to vector<1x16xi32>
      tpu.vector_store %arg5[%swap3A_384, %swap3A_385], %swap3A_388 {strides = array<i32>} : memref<100x64xi32, #tpu.memory_space<vmem>>, vector<1x16xi32>,
      %get3A_389 = arith.index_cast %add3A_357 : i32 to index
      %get3A_390 = arith.constant 32 : index
      %get3A_391 = tpu.vector_load %arg5[%get3A_389, %get3A_390] {strides = array<i32>} : memref<100x64xi32, #tpu.memory_space<vmem>>, vector<1x16xi32>,
      %get3A_392 = vector.shape_cast %get3A_391 : vector<1x16xi32> to vector<16xi32>
      %abs3A_393 = math.absi %get3A_392 : vector<16xi32>
      %min3A_394 = arith.constant 3649 : i32
      %min3A_395 = vector.broadcast %min3A_394 : i32 to vector<16xi32>
      %min3A_396 = arith.minsi %abs3A_393, %min3A_395 : vector<16xi32>
      %swap3A_397 = arith.index_cast %add3A_357 : i32 to index
      %swap3A_398 = arith.constant 32 : index
      %swap3A_399 = tpu.vector_load %arg5[%swap3A_397, %swap3A_398] {strides = array<i32>} : memref<100x64xi32, #tpu.memory_space<vmem>>, vector<1x16xi32>,
      %swap3A_400 = vector.shape_cast %swap3A_399 : vector<1x16xi32> to vector<16xi32>
      %swap3A_401 = vector.shape_cast %min3A_396 : vector<16xi32> to vector<1x16xi32>
      tpu.vector_store %arg5[%swap3A_397, %swap3A_398], %swap3A_401 {strides = array<i32>} : memref<100x64xi32, #tpu.memory_space<vmem>>, vector<1x16xi32>,
      %get3A_402 = arith.index_cast %add3A_357 : i32 to index
      %get3A_403 = arith.constant 48 : index
      %get3A_404 = tpu.vector_load %arg5[%get3A_402, %get3A_403] {strides = array<i32>} : memref<100x64xi32, #tpu.memory_space<vmem>>, vector<1x16xi32>,
      %get3A_405 = vector.shape_cast %get3A_404 : vector<1x16xi32> to vector<16xi32>
      %abs3A_406 = math.absi %get3A_405 : vector<16xi32>
      %min3A_407 = arith.constant 3649 : i32
      %min3A_408 = vector.broadcast %min3A_407 : i32 to vector<16xi32>
      %min3A_409 = arith.minsi %abs3A_406, %min3A_408 : vector<16xi32>
      %swap3A_410 = arith.index_cast %add3A_357 : i32 to index
      %swap3A_411 = arith.constant 48 : index
      %swap3A_412 = tpu.vector_load %arg5[%swap3A_410, %swap3A_411] {strides = array<i32>} : memref<100x64xi32, #tpu.memory_space<vmem>>, vector<1x16xi32>,
      %swap3A_413 = vector.shape_cast %swap3A_412 : vector<1x16xi32> to vector<16xi32>
      %swap3A_414 = vector.shape_cast %min3A_409 : vector<16xi32> to vector<1x16xi32>
      tpu.vector_store %arg5[%swap3A_410, %swap3A_411], %swap3A_414 {strides = array<i32>} : memref<100x64xi32, #tpu.memory_space<vmem>>, vector<1x16xi32>,
      %dma_start3A_415 = arith.constant 3 : i32
      %dma_start3A_416 = arith.constant 0 : i32
      %dma_start3A_417 = arith.constant 0 : i32
      %dma_start3A_418 = tpu.memref_slice %arg6[%dma_start3A_415, %dma_start3A_416, %dma_start3A_417] : memref<10x64x128xf32, #tpu.memory_space<vmem>> -> memref<1x64x128xf32, #tpu.memory_space<vmem>>
      %dma_start3A_419 = tpu.memref_squeeze %dma_start3A_418 : memref<1x64x128xf32, #tpu.memory_space<vmem>> -> memref<64x128xf32, #tpu.memory_space<vmem>>
      %dma_start3A_420 = arith.constant 0 : i32
      %dma_start3A_421 = tpu.memref_slice %arg5[%add3A_357, %dma_start3A_420] : memref<100x64xi32, #tpu.memory_space<vmem>> -> memref<1x64xi32, #tpu.memory_space<vmem>>
      %dma_start3A_422 = tpu.memref_squeeze %dma_start3A_421 : memref<1x64xi32, #tpu.memory_space<vmem>> -> memref<64xi32, #tpu.memory_space<vmem>>
      %dma_start3A_423 = arith.constant 0 : i32
      %dma_start3A_424 = arith.constant 0 : i32
      %dma_start3A_425 = tpu.memref_slice %arg7[%dma_start3A_423, %dma_start3A_424] : memref<3650x128xf32, #tpu.memory_space<vmem_shared>> -> memref<3650x128xf32, #tpu.memory_space<vmem_shared>>
      tpu.enqueue_indirect_dma source(%dma_start3A_425 : memref<3650x128xf32, #tpu.memory_space<vmem_shared>>) target(%dma_start3A_419 : memref<64x128xf32, #tpu.memory_space<vmem>>) offsets(%dma_start3A_422 : memref<64xi32, #tpu.memory_space<vmem>>) semaphore(%arg11 : memref<!tpu.dma_semaphore, #tpu.memory_space<semaphore_mem>>)
      %mul3A_426 = arith.constant 10 : i32
      %mul3A_427 = arith.muli %scan3A_143, %mul3A_426 : i32
      %add3A_428 = arith.constant 4 : i32
      %add3A_429 = arith.addi %mul3A_427, %add3A_428 : i32
      %gt3A_430 = arith.constant 0 : i32
      %gt3A_431 = arith.cmpi sgt, %scan3A_143, %gt3A_430 : i32
      %convert_element_type3A_432 = arith.extui %gt3A_431 : i1 to i32
      %cond3A_433 = arith.constant 0 : i32
      %cond3A_434 = arith.cmpi ne, %convert_element_type3A_432, %cond3A_433 : i32
      scf.if %cond3A_434 {
        %dma_wait3A_1168 = arith.constant 4 : i32
        %dma_wait3A_1169 = arith.constant 0 : i32
        %dma_wait3A_1170 = arith.constant 0 : i32
        %dma_wait3A_1171 = tpu.memref_slice %arg6[%dma_wait3A_1168, %dma_wait3A_1169, %dma_wait3A_1170] : memref<10x64x128xf32, #tpu.memory_space<vmem>> -> memref<1x64x128xf32, #tpu.memory_space<vmem>>
        %dma_wait3A_1172 = tpu.memref_squeeze %dma_wait3A_1171 : memref<1x64x128xf32, #tpu.memory_space<vmem>> -> memref<64x128xf32, #tpu.memory_space<vmem>>
        %dma_wait3A_1173 = arith.constant 0 : i32
        %dma_wait3A_1174 = tpu.memref_slice %arg4[%mul3A_2, %dma_wait3A_1173] : memref<204800x128xf32, #tpu.memory_space<hbm>> -> memref<64x128xf32, #tpu.memory_space<hbm>>
        %dma_wait3A_1175 = arith.constant 0 : i32
        %dma_wait3A_1176 = tpu.memref_slice %arg4[%mul3A_2, %dma_wait3A_1175] : memref<204800x128xf32, #tpu.memory_space<hbm>> -> memref<64x128xf32, #tpu.memory_space<hbm>>
        %dma_wait3A_1177 = arith.constant 0 : i32
        %dma_wait3A_1178 = arith.constant 0 : i32
        %dma_wait3A_1179 = tpu.memref_slice %arg6[%dma_wait3A_1168, %dma_wait3A_1177, %dma_wait3A_1178] : memref<10x64x128xf32, #tpu.memory_space<vmem>> -> memref<1x64x128xf32, #tpu.memory_space<vmem>>
        %dma_wait3A_1180 = tpu.memref_squeeze %dma_wait3A_1179 : memref<1x64x128xf32, #tpu.memory_space<vmem>> -> memref<64x128xf32, #tpu.memory_space<vmem>>
        tpu.wait_dma2 semaphore(%arg22 : memref<!tpu.dma_semaphore, #tpu.memory_space<semaphore_mem>>) src(%dma_wait3A_1180 : memref<64x128xf32, #tpu.memory_space<vmem>>) dst(%dma_wait3A_1176 : memref<64x128xf32, #tpu.memory_space<hbm>>)
      } else {
      }
      %get3A_435 = arith.index_cast %add3A_429 : i32 to index
      %get3A_436 = arith.constant 0 : index
      %get3A_437 = tpu.vector_load %arg5[%get3A_435, %get3A_436] {strides = array<i32>} : memref<100x64xi32, #tpu.memory_space<vmem>>, vector<1x16xi32>,
      %get3A_438 = vector.shape_cast %get3A_437 : vector<1x16xi32> to vector<16xi32>
      %abs3A_439 = math.absi %get3A_438 : vector<16xi32>
      %min3A_440 = arith.constant 3649 : i32
      %min3A_441 = vector.broadcast %min3A_440 : i32 to vector<16xi32>
      %min3A_442 = arith.minsi %abs3A_439, %min3A_441 : vector<16xi32>
      %swap3A_443 = arith.index_cast %add3A_429 : i32 to index
      %swap3A_444 = arith.constant 0 : index
      %swap3A_445 = tpu.vector_load %arg5[%swap3A_443, %swap3A_444] {strides = array<i32>} : memref<100x64xi32, #tpu.memory_space<vmem>>, vector<1x16xi32>,
      %swap3A_446 = vector.shape_cast %swap3A_445 : vector<1x16xi32> to vector<16xi32>
      %swap3A_447 = vector.shape_cast %min3A_442 : vector<16xi32> to vector<1x16xi32>
      tpu.vector_store %arg5[%swap3A_443, %swap3A_444], %swap3A_447 {strides = array<i32>} : memref<100x64xi32, #tpu.memory_space<vmem>>, vector<1x16xi32>,
      %get3A_448 = arith.index_cast %add3A_429 : i32 to index
      %get3A_449 = arith.constant 16 : index
      %get3A_450 = tpu.vector_load %arg5[%get3A_448, %get3A_449] {strides = array<i32>} : memref<100x64xi32, #tpu.memory_space<vmem>>, vector<1x16xi32>,
      %get3A_451 = vector.shape_cast %get3A_450 : vector<1x16xi32> to vector<16xi32>
      %abs3A_452 = math.absi %get3A_451 : vector<16xi32>
      %min3A_453 = arith.constant 3649 : i32
      %min3A_454 = vector.broadcast %min3A_453 : i32 to vector<16xi32>
      %min3A_455 = arith.minsi %abs3A_452, %min3A_454 : vector<16xi32>
      %swap3A_456 = arith.index_cast %add3A_429 : i32 to index
      %swap3A_457 = arith.constant 16 : index
      %swap3A_458 = tpu.vector_load %arg5[%swap3A_456, %swap3A_457] {strides = array<i32>} : memref<100x64xi32, #tpu.memory_space<vmem>>, vector<1x16xi32>,
      %swap3A_459 = vector.shape_cast %swap3A_458 : vector<1x16xi32> to vector<16xi32>
      %swap3A_460 = vector.shape_cast %min3A_455 : vector<16xi32> to vector<1x16xi32>
      tpu.vector_store %arg5[%swap3A_456, %swap3A_457], %swap3A_460 {strides = array<i32>} : memref<100x64xi32, #tpu.memory_space<vmem>>, vector<1x16xi32>,
      %get3A_461 = arith.index_cast %add3A_429 : i32 to index
      %get3A_462 = arith.constant 32 : index
      %get3A_463 = tpu.vector_load %arg5[%get3A_461, %get3A_462] {strides = array<i32>} : memref<100x64xi32, #tpu.memory_space<vmem>>, vector<1x16xi32>,
      %get3A_464 = vector.shape_cast %get3A_463 : vector<1x16xi32> to vector<16xi32>
      %abs3A_465 = math.absi %get3A_464 : vector<16xi32>
      %min3A_466 = arith.constant 3649 : i32
      %min3A_467 = vector.broadcast %min3A_466 : i32 to vector<16xi32>
      %min3A_468 = arith.minsi %abs3A_465, %min3A_467 : vector<16xi32>
      %swap3A_469 = arith.index_cast %add3A_429 : i32 to index
      %swap3A_470 = arith.constant 32 : index
      %swap3A_471 = tpu.vector_load %arg5[%swap3A_469, %swap3A_470] {strides = array<i32>} : memref<100x64xi32, #tpu.memory_space<vmem>>, vector<1x16xi32>,
      %swap3A_472 = vector.shape_cast %swap3A_471 : vector<1x16xi32> to vector<16xi32>
      %swap3A_473 = vector.shape_cast %min3A_468 : vector<16xi32> to vector<1x16xi32>
      tpu.vector_store %arg5[%swap3A_469, %swap3A_470], %swap3A_473 {strides = array<i32>} : memref<100x64xi32, #tpu.memory_space<vmem>>, vector<1x16xi32>,
      %get3A_474 = arith.index_cast %add3A_429 : i32 to index
      %get3A_475 = arith.constant 48 : index
      %get3A_476 = tpu.vector_load %arg5[%get3A_474, %get3A_475] {strides = array<i32>} : memref<100x64xi32, #tpu.memory_space<vmem>>, vector<1x16xi32>,
      %get3A_477 = vector.shape_cast %get3A_476 : vector<1x16xi32> to vector<16xi32>
      %abs3A_478 = math.absi %get3A_477 : vector<16xi32>
      %min3A_479 = arith.constant 3649 : i32
      %min3A_480 = vector.broadcast %min3A_479 : i32 to vector<16xi32>
      %min3A_481 = arith.minsi %abs3A_478, %min3A_480 : vector<16xi32>
      %swap3A_482 = arith.index_cast %add3A_429 : i32 to index
      %swap3A_483 = arith.constant 48 : index
      %swap3A_484 = tpu.vector_load %arg5[%swap3A_482, %swap3A_483] {strides = array<i32>} : memref<100x64xi32, #tpu.memory_space<vmem>>, vector<1x16xi32>,
      %swap3A_485 = vector.shape_cast %swap3A_484 : vector<1x16xi32> to vector<16xi32>
      %swap3A_486 = vector.shape_cast %min3A_481 : vector<16xi32> to vector<1x16xi32>
      tpu.vector_store %arg5[%swap3A_482, %swap3A_483], %swap3A_486 {strides = array<i32>} : memref<100x64xi32, #tpu.memory_space<vmem>>, vector<1x16xi32>,
      %dma_start3A_487 = arith.constant 4 : i32
      %dma_start3A_488 = arith.constant 0 : i32
      %dma_start3A_489 = arith.constant 0 : i32
      %dma_start3A_490 = tpu.memref_slice %arg6[%dma_start3A_487, %dma_start3A_488, %dma_start3A_489] : memref<10x64x128xf32, #tpu.memory_space<vmem>> -> memref<1x64x128xf32, #tpu.memory_space<vmem>>
      %dma_start3A_491 = tpu.memref_squeeze %dma_start3A_490 : memref<1x64x128xf32, #tpu.memory_space<vmem>> -> memref<64x128xf32, #tpu.memory_space<vmem>>
      %dma_start3A_492 = arith.constant 0 : i32
      %dma_start3A_493 = tpu.memref_slice %arg5[%add3A_429, %dma_start3A_492] : memref<100x64xi32, #tpu.memory_space<vmem>> -> memref<1x64xi32, #tpu.memory_space<vmem>>
      %dma_start3A_494 = tpu.memref_squeeze %dma_start3A_493 : memref<1x64xi32, #tpu.memory_space<vmem>> -> memref<64xi32, #tpu.memory_space<vmem>>
      %dma_start3A_495 = arith.constant 0 : i32
      %dma_start3A_496 = arith.constant 0 : i32
      %dma_start3A_497 = tpu.memref_slice %arg7[%dma_start3A_495, %dma_start3A_496] : memref<3650x128xf32, #tpu.memory_space<vmem_shared>> -> memref<3650x128xf32, #tpu.memory_space<vmem_shared>>
      tpu.enqueue_indirect_dma source(%dma_start3A_497 : memref<3650x128xf32, #tpu.memory_space<vmem_shared>>) target(%dma_start3A_491 : memref<64x128xf32, #tpu.memory_space<vmem>>) offsets(%dma_start3A_494 : memref<64xi32, #tpu.memory_space<vmem>>) semaphore(%arg12 : memref<!tpu.dma_semaphore, #tpu.memory_space<semaphore_mem>>)
      %mul3A_498 = arith.constant 10 : i32
      %mul3A_499 = arith.muli %scan3A_143, %mul3A_498 : i32
      %add3A_500 = arith.constant 5 : i32
      %add3A_501 = arith.addi %mul3A_499, %add3A_500 : i32
      %gt3A_502 = arith.constant 0 : i32
      %gt3A_503 = arith.cmpi sgt, %scan3A_143, %gt3A_502 : i32
      %convert_element_type3A_504 = arith.extui %gt3A_503 : i1 to i32
      %cond3A_505 = arith.constant 0 : i32
      %cond3A_506 = arith.cmpi ne, %convert_element_type3A_504, %cond3A_505 : i32
      scf.if %cond3A_506 {
        %dma_wait3A_1168 = arith.constant 5 : i32
        %dma_wait3A_1169 = arith.constant 0 : i32
        %dma_wait3A_1170 = arith.constant 0 : i32
        %dma_wait3A_1171 = tpu.memref_slice %arg6[%dma_wait3A_1168, %dma_wait3A_1169, %dma_wait3A_1170] : memref<10x64x128xf32, #tpu.memory_space<vmem>> -> memref<1x64x128xf32, #tpu.memory_space<vmem>>
        %dma_wait3A_1172 = tpu.memref_squeeze %dma_wait3A_1171 : memref<1x64x128xf32, #tpu.memory_space<vmem>> -> memref<64x128xf32, #tpu.memory_space<vmem>>
        %dma_wait3A_1173 = arith.constant 0 : i32
        %dma_wait3A_1174 = tpu.memref_slice %arg4[%mul3A_2, %dma_wait3A_1173] : memref<204800x128xf32, #tpu.memory_space<hbm>> -> memref<64x128xf32, #tpu.memory_space<hbm>>
        %dma_wait3A_1175 = arith.constant 0 : i32
        %dma_wait3A_1176 = tpu.memref_slice %arg4[%mul3A_2, %dma_wait3A_1175] : memref<204800x128xf32, #tpu.memory_space<hbm>> -> memref<64x128xf32, #tpu.memory_space<hbm>>
        %dma_wait3A_1177 = arith.constant 0 : i32
        %dma_wait3A_1178 = arith.constant 0 : i32
        %dma_wait3A_1179 = tpu.memref_slice %arg6[%dma_wait3A_1168, %dma_wait3A_1177, %dma_wait3A_1178] : memref<10x64x128xf32, #tpu.memory_space<vmem>> -> memref<1x64x128xf32, #tpu.memory_space<vmem>>
        %dma_wait3A_1180 = tpu.memref_squeeze %dma_wait3A_1179 : memref<1x64x128xf32, #tpu.memory_space<vmem>> -> memref<64x128xf32, #tpu.memory_space<vmem>>
        tpu.wait_dma2 semaphore(%arg23 : memref<!tpu.dma_semaphore, #tpu.memory_space<semaphore_mem>>) src(%dma_wait3A_1180 : memref<64x128xf32, #tpu.memory_space<vmem>>) dst(%dma_wait3A_1176 : memref<64x128xf32, #tpu.memory_space<hbm>>)
      } else {
      }
      %get3A_507 = arith.index_cast %add3A_501 : i32 to index
      %get3A_508 = arith.constant 0 : index
      %get3A_509 = tpu.vector_load %arg5[%get3A_507, %get3A_508] {strides = array<i32>} : memref<100x64xi32, #tpu.memory_space<vmem>>, vector<1x16xi32>,
      %get3A_510 = vector.shape_cast %get3A_509 : vector<1x16xi32> to vector<16xi32>
      %abs3A_511 = math.absi %get3A_510 : vector<16xi32>
      %min3A_512 = arith.constant 3649 : i32
      %min3A_513 = vector.broadcast %min3A_512 : i32 to vector<16xi32>
      %min3A_514 = arith.minsi %abs3A_511, %min3A_513 : vector<16xi32>
      %swap3A_515 = arith.index_cast %add3A_501 : i32 to index
      %swap3A_516 = arith.constant 0 : index
      %swap3A_517 = tpu.vector_load %arg5[%swap3A_515, %swap3A_516] {strides = array<i32>} : memref<100x64xi32, #tpu.memory_space<vmem>>, vector<1x16xi32>,
      %swap3A_518 = vector.shape_cast %swap3A_517 : vector<1x16xi32> to vector<16xi32>
      %swap3A_519 = vector.shape_cast %min3A_514 : vector<16xi32> to vector<1x16xi32>
      tpu.vector_store %arg5[%swap3A_515, %swap3A_516], %swap3A_519 {strides = array<i32>} : memref<100x64xi32, #tpu.memory_space<vmem>>, vector<1x16xi32>,
      %get3A_520 = arith.index_cast %add3A_501 : i32 to index
      %get3A_521 = arith.constant 16 : index
      %get3A_522 = tpu.vector_load %arg5[%get3A_520, %get3A_521] {strides = array<i32>} : memref<100x64xi32, #tpu.memory_space<vmem>>, vector<1x16xi32>,
      %get3A_523 = vector.shape_cast %get3A_522 : vector<1x16xi32> to vector<16xi32>
      %abs3A_524 = math.absi %get3A_523 : vector<16xi32>
      %min3A_525 = arith.constant 3649 : i32
      %min3A_526 = vector.broadcast %min3A_525 : i32 to vector<16xi32>
      %min3A_527 = arith.minsi %abs3A_524, %min3A_526 : vector<16xi32>
      %swap3A_528 = arith.index_cast %add3A_501 : i32 to index
      %swap3A_529 = arith.constant 16 : index
      %swap3A_530 = tpu.vector_load %arg5[%swap3A_528, %swap3A_529] {strides = array<i32>} : memref<100x64xi32, #tpu.memory_space<vmem>>, vector<1x16xi32>,
      %swap3A_531 = vector.shape_cast %swap3A_530 : vector<1x16xi32> to vector<16xi32>
      %swap3A_532 = vector.shape_cast %min3A_527 : vector<16xi32> to vector<1x16xi32>
      tpu.vector_store %arg5[%swap3A_528, %swap3A_529], %swap3A_532 {strides = array<i32>} : memref<100x64xi32, #tpu.memory_space<vmem>>, vector<1x16xi32>,
      %get3A_533 = arith.index_cast %add3A_501 : i32 to index
      %get3A_534 = arith.constant 32 : index
      %get3A_535 = tpu.vector_load %arg5[%get3A_533, %get3A_534] {strides = array<i32>} : memref<100x64xi32, #tpu.memory_space<vmem>>, vector<1x16xi32>,
      %get3A_536 = vector.shape_cast %get3A_535 : vector<1x16xi32> to vector<16xi32>
      %abs3A_537 = math.absi %get3A_536 : vector<16xi32>
      %min3A_538 = arith.constant 3649 : i32
      %min3A_539 = vector.broadcast %min3A_538 : i32 to vector<16xi32>
      %min3A_540 = arith.minsi %abs3A_537, %min3A_539 : vector<16xi32>
      %swap3A_541 = arith.index_cast %add3A_501 : i32 to index
      %swap3A_542 = arith.constant 32 : index
      %swap3A_543 = tpu.vector_load %arg5[%swap3A_541, %swap3A_542] {strides = array<i32>} : memref<100x64xi32, #tpu.memory_space<vmem>>, vector<1x16xi32>,
      %swap3A_544 = vector.shape_cast %swap3A_543 : vector<1x16xi32> to vector<16xi32>
      %swap3A_545 = vector.shape_cast %min3A_540 : vector<16xi32> to vector<1x16xi32>
      tpu.vector_store %arg5[%swap3A_541, %swap3A_542], %swap3A_545 {strides = array<i32>} : memref<100x64xi32, #tpu.memory_space<vmem>>, vector<1x16xi32>,
      %get3A_546 = arith.index_cast %add3A_501 : i32 to index
      %get3A_547 = arith.constant 48 : index
      %get3A_548 = tpu.vector_load %arg5[%get3A_546, %get3A_547] {strides = array<i32>} : memref<100x64xi32, #tpu.memory_space<vmem>>, vector<1x16xi32>,
      %get3A_549 = vector.shape_cast %get3A_548 : vector<1x16xi32> to vector<16xi32>
      %abs3A_550 = math.absi %get3A_549 : vector<16xi32>
      %min3A_551 = arith.constant 3649 : i32
      %min3A_552 = vector.broadcast %min3A_551 : i32 to vector<16xi32>
      %min3A_553 = arith.minsi %abs3A_550, %min3A_552 : vector<16xi32>
      %swap3A_554 = arith.index_cast %add3A_501 : i32 to index
      %swap3A_555 = arith.constant 48 : index
      %swap3A_556 = tpu.vector_load %arg5[%swap3A_554, %swap3A_555] {strides = array<i32>} : memref<100x64xi32, #tpu.memory_space<vmem>>, vector<1x16xi32>,
      %swap3A_557 = vector.shape_cast %swap3A_556 : vector<1x16xi32> to vector<16xi32>
      %swap3A_558 = vector.shape_cast %min3A_553 : vector<16xi32> to vector<1x16xi32>
      tpu.vector_store %arg5[%swap3A_554, %swap3A_555], %swap3A_558 {strides = array<i32>} : memref<100x64xi32, #tpu.memory_space<vmem>>, vector<1x16xi32>,
      %dma_start3A_559 = arith.constant 5 : i32
      %dma_start3A_560 = arith.constant 0 : i32
      %dma_start3A_561 = arith.constant 0 : i32
      %dma_start3A_562 = tpu.memref_slice %arg6[%dma_start3A_559, %dma_start3A_560, %dma_start3A_561] : memref<10x64x128xf32, #tpu.memory_space<vmem>> -> memref<1x64x128xf32, #tpu.memory_space<vmem>>
      %dma_start3A_563 = tpu.memref_squeeze %dma_start3A_562 : memref<1x64x128xf32, #tpu.memory_space<vmem>> -> memref<64x128xf32, #tpu.memory_space<vmem>>
      %dma_start3A_564 = arith.constant 0 : i32
      %dma_start3A_565 = tpu.memref_slice %arg5[%add3A_501, %dma_start3A_564] : memref<100x64xi32, #tpu.memory_space<vmem>> -> memref<1x64xi32, #tpu.memory_space<vmem>>
      %dma_start3A_566 = tpu.memref_squeeze %dma_start3A_565 : memref<1x64xi32, #tpu.memory_space<vmem>> -> memref<64xi32, #tpu.memory_space<vmem>>
      %dma_start3A_567 = arith.constant 0 : i32
      %dma_start3A_568 = arith.constant 0 : i32
      %dma_start3A_569 = tpu.memref_slice %arg7[%dma_start3A_567, %dma_start3A_568] : memref<3650x128xf32, #tpu.memory_space<vmem_shared>> -> memref<3650x128xf32, #tpu.memory_space<vmem_shared>>
      tpu.enqueue_indirect_dma source(%dma_start3A_569 : memref<3650x128xf32, #tpu.memory_space<vmem_shared>>) target(%dma_start3A_563 : memref<64x128xf32, #tpu.memory_space<vmem>>) offsets(%dma_start3A_566 : memref<64xi32, #tpu.memory_space<vmem>>) semaphore(%arg13 : memref<!tpu.dma_semaphore, #tpu.memory_space<semaphore_mem>>)
      %mul3A_570 = arith.constant 10 : i32
      %mul3A_571 = arith.muli %scan3A_143, %mul3A_570 : i32
      %add3A_572 = arith.constant 6 : i32
      %add3A_573 = arith.addi %mul3A_571, %add3A_572 : i32
      %gt3A_574 = arith.constant 0 : i32
      %gt3A_575 = arith.cmpi sgt, %scan3A_143, %gt3A_574 : i32
      %convert_element_type3A_576 = arith.extui %gt3A_575 : i1 to i32
      %cond3A_577 = arith.constant 0 : i32
      %cond3A_578 = arith.cmpi ne, %convert_element_type3A_576, %cond3A_577 : i32
      scf.if %cond3A_578 {
        %dma_wait3A_1168 = arith.constant 6 : i32
        %dma_wait3A_1169 = arith.constant 0 : i32
        %dma_wait3A_1170 = arith.constant 0 : i32
        %dma_wait3A_1171 = tpu.memref_slice %arg6[%dma_wait3A_1168, %dma_wait3A_1169, %dma_wait3A_1170] : memref<10x64x128xf32, #tpu.memory_space<vmem>> -> memref<1x64x128xf32, #tpu.memory_space<vmem>>
        %dma_wait3A_1172 = tpu.memref_squeeze %dma_wait3A_1171 : memref<1x64x128xf32, #tpu.memory_space<vmem>> -> memref<64x128xf32, #tpu.memory_space<vmem>>
        %dma_wait3A_1173 = arith.constant 0 : i32
        %dma_wait3A_1174 = tpu.memref_slice %arg4[%mul3A_2, %dma_wait3A_1173] : memref<204800x128xf32, #tpu.memory_space<hbm>> -> memref<64x128xf32, #tpu.memory_space<hbm>>
        %dma_wait3A_1175 = arith.constant 0 : i32
        %dma_wait3A_1176 = tpu.memref_slice %arg4[%mul3A_2, %dma_wait3A_1175] : memref<204800x128xf32, #tpu.memory_space<hbm>> -> memref<64x128xf32, #tpu.memory_space<hbm>>
        %dma_wait3A_1177 = arith.constant 0 : i32
        %dma_wait3A_1178 = arith.constant 0 : i32
        %dma_wait3A_1179 = tpu.memref_slice %arg6[%dma_wait3A_1168, %dma_wait3A_1177, %dma_wait3A_1178] : memref<10x64x128xf32, #tpu.memory_space<vmem>> -> memref<1x64x128xf32, #tpu.memory_space<vmem>>
        %dma_wait3A_1180 = tpu.memref_squeeze %dma_wait3A_1179 : memref<1x64x128xf32, #tpu.memory_space<vmem>> -> memref<64x128xf32, #tpu.memory_space<vmem>>
        tpu.wait_dma2 semaphore(%arg24 : memref<!tpu.dma_semaphore, #tpu.memory_space<semaphore_mem>>) src(%dma_wait3A_1180 : memref<64x128xf32, #tpu.memory_space<vmem>>) dst(%dma_wait3A_1176 : memref<64x128xf32, #tpu.memory_space<hbm>>)
      } else {
      }
      %get3A_579 = arith.index_cast %add3A_573 : i32 to index
      %get3A_580 = arith.constant 0 : index
      %get3A_581 = tpu.vector_load %arg5[%get3A_579, %get3A_580] {strides = array<i32>} : memref<100x64xi32, #tpu.memory_space<vmem>>, vector<1x16xi32>,
      %get3A_582 = vector.shape_cast %get3A_581 : vector<1x16xi32> to vector<16xi32>
      %abs3A_583 = math.absi %get3A_582 : vector<16xi32>
      %min3A_584 = arith.constant 3649 : i32
      %min3A_585 = vector.broadcast %min3A_584 : i32 to vector<16xi32>
      %min3A_586 = arith.minsi %abs3A_583, %min3A_585 : vector<16xi32>
      %swap3A_587 = arith.index_cast %add3A_573 : i32 to index
      %swap3A_588 = arith.constant 0 : index
      %swap3A_589 = tpu.vector_load %arg5[%swap3A_587, %swap3A_588] {strides = array<i32>} : memref<100x64xi32, #tpu.memory_space<vmem>>, vector<1x16xi32>,
      %swap3A_590 = vector.shape_cast %swap3A_589 : vector<1x16xi32> to vector<16xi32>
      %swap3A_591 = vector.shape_cast %min3A_586 : vector<16xi32> to vector<1x16xi32>
      tpu.vector_store %arg5[%swap3A_587, %swap3A_588], %swap3A_591 {strides = array<i32>} : memref<100x64xi32, #tpu.memory_space<vmem>>, vector<1x16xi32>,
      %get3A_592 = arith.index_cast %add3A_573 : i32 to index
      %get3A_593 = arith.constant 16 : index
      %get3A_594 = tpu.vector_load %arg5[%get3A_592, %get3A_593] {strides = array<i32>} : memref<100x64xi32, #tpu.memory_space<vmem>>, vector<1x16xi32>,
      %get3A_595 = vector.shape_cast %get3A_594 : vector<1x16xi32> to vector<16xi32>
      %abs3A_596 = math.absi %get3A_595 : vector<16xi32>
      %min3A_597 = arith.constant 3649 : i32
      %min3A_598 = vector.broadcast %min3A_597 : i32 to vector<16xi32>
      %min3A_599 = arith.minsi %abs3A_596, %min3A_598 : vector<16xi32>
      %swap3A_600 = arith.index_cast %add3A_573 : i32 to index
      %swap3A_601 = arith.constant 16 : index
      %swap3A_602 = tpu.vector_load %arg5[%swap3A_600, %swap3A_601] {strides = array<i32>} : memref<100x64xi32, #tpu.memory_space<vmem>>, vector<1x16xi32>,
      %swap3A_603 = vector.shape_cast %swap3A_602 : vector<1x16xi32> to vector<16xi32>
      %swap3A_604 = vector.shape_cast %min3A_599 : vector<16xi32> to vector<1x16xi32>
      tpu.vector_store %arg5[%swap3A_600, %swap3A_601], %swap3A_604 {strides = array<i32>} : memref<100x64xi32, #tpu.memory_space<vmem>>, vector<1x16xi32>,
      %get3A_605 = arith.index_cast %add3A_573 : i32 to index
      %get3A_606 = arith.constant 32 : index
      %get3A_607 = tpu.vector_load %arg5[%get3A_605, %get3A_606] {strides = array<i32>} : memref<100x64xi32, #tpu.memory_space<vmem>>, vector<1x16xi32>,
      %get3A_608 = vector.shape_cast %get3A_607 : vector<1x16xi32> to vector<16xi32>
      %abs3A_609 = math.absi %get3A_608 : vector<16xi32>
      %min3A_610 = arith.constant 3649 : i32
      %min3A_611 = vector.broadcast %min3A_610 : i32 to vector<16xi32>
      %min3A_612 = arith.minsi %abs3A_609, %min3A_611 : vector<16xi32>
      %swap3A_613 = arith.index_cast %add3A_573 : i32 to index
      %swap3A_614 = arith.constant 32 : index
      %swap3A_615 = tpu.vector_load %arg5[%swap3A_613, %swap3A_614] {strides = array<i32>} : memref<100x64xi32, #tpu.memory_space<vmem>>, vector<1x16xi32>,
      %swap3A_616 = vector.shape_cast %swap3A_615 : vector<1x16xi32> to vector<16xi32>
      %swap3A_617 = vector.shape_cast %min3A_612 : vector<16xi32> to vector<1x16xi32>
      tpu.vector_store %arg5[%swap3A_613, %swap3A_614], %swap3A_617 {strides = array<i32>} : memref<100x64xi32, #tpu.memory_space<vmem>>, vector<1x16xi32>,
      %get3A_618 = arith.index_cast %add3A_573 : i32 to index
      %get3A_619 = arith.constant 48 : index
      %get3A_620 = tpu.vector_load %arg5[%get3A_618, %get3A_619] {strides = array<i32>} : memref<100x64xi32, #tpu.memory_space<vmem>>, vector<1x16xi32>,
      %get3A_621 = vector.shape_cast %get3A_620 : vector<1x16xi32> to vector<16xi32>
      %abs3A_622 = math.absi %get3A_621 : vector<16xi32>
      %min3A_623 = arith.constant 3649 : i32
      %min3A_624 = vector.broadcast %min3A_623 : i32 to vector<16xi32>
      %min3A_625 = arith.minsi %abs3A_622, %min3A_624 : vector<16xi32>
      %swap3A_626 = arith.index_cast %add3A_573 : i32 to index
      %swap3A_627 = arith.constant 48 : index
      %swap3A_628 = tpu.vector_load %arg5[%swap3A_626, %swap3A_627] {strides = array<i32>} : memref<100x64xi32, #tpu.memory_space<vmem>>, vector<1x16xi32>,
      %swap3A_629 = vector.shape_cast %swap3A_628 : vector<1x16xi32> to vector<16xi32>
      %swap3A_630 = vector.shape_cast %min3A_625 : vector<16xi32> to vector<1x16xi32>
      tpu.vector_store %arg5[%swap3A_626, %swap3A_627], %swap3A_630 {strides = array<i32>} : memref<100x64xi32, #tpu.memory_space<vmem>>, vector<1x16xi32>,
      %dma_start3A_631 = arith.constant 6 : i32
      %dma_start3A_632 = arith.constant 0 : i32
      %dma_start3A_633 = arith.constant 0 : i32
      %dma_start3A_634 = tpu.memref_slice %arg6[%dma_start3A_631, %dma_start3A_632, %dma_start3A_633] : memref<10x64x128xf32, #tpu.memory_space<vmem>> -> memref<1x64x128xf32, #tpu.memory_space<vmem>>
      %dma_start3A_635 = tpu.memref_squeeze %dma_start3A_634 : memref<1x64x128xf32, #tpu.memory_space<vmem>> -> memref<64x128xf32, #tpu.memory_space<vmem>>
      %dma_start3A_636 = arith.constant 0 : i32
      %dma_start3A_637 = tpu.memref_slice %arg5[%add3A_573, %dma_start3A_636] : memref<100x64xi32, #tpu.memory_space<vmem>> -> memref<1x64xi32, #tpu.memory_space<vmem>>
      %dma_start3A_638 = tpu.memref_squeeze %dma_start3A_637 : memref<1x64xi32, #tpu.memory_space<vmem>> -> memref<64xi32, #tpu.memory_space<vmem>>
      %dma_start3A_639 = arith.constant 0 : i32
      %dma_start3A_640 = arith.constant 0 : i32
      %dma_start3A_641 = tpu.memref_slice %arg7[%dma_start3A_639, %dma_start3A_640] : memref<3650x128xf32, #tpu.memory_space<vmem_shared>> -> memref<3650x128xf32, #tpu.memory_space<vmem_shared>>
      tpu.enqueue_indirect_dma source(%dma_start3A_641 : memref<3650x128xf32, #tpu.memory_space<vmem_shared>>) target(%dma_start3A_635 : memref<64x128xf32, #tpu.memory_space<vmem>>) offsets(%dma_start3A_638 : memref<64xi32, #tpu.memory_space<vmem>>) semaphore(%arg14 : memref<!tpu.dma_semaphore, #tpu.memory_space<semaphore_mem>>)
      %mul3A_642 = arith.constant 10 : i32
      %mul3A_643 = arith.muli %scan3A_143, %mul3A_642 : i32
      %add3A_644 = arith.constant 7 : i32
      %add3A_645 = arith.addi %mul3A_643, %add3A_644 : i32
      %gt3A_646 = arith.constant 0 : i32
      %gt3A_647 = arith.cmpi sgt, %scan3A_143, %gt3A_646 : i32
      %convert_element_type3A_648 = arith.extui %gt3A_647 : i1 to i32
      %cond3A_649 = arith.constant 0 : i32
      %cond3A_650 = arith.cmpi ne, %convert_element_type3A_648, %cond3A_649 : i32
      scf.if %cond3A_650 {
        %dma_wait3A_1168 = arith.constant 7 : i32
        %dma_wait3A_1169 = arith.constant 0 : i32
        %dma_wait3A_1170 = arith.constant 0 : i32
        %dma_wait3A_1171 = tpu.memref_slice %arg6[%dma_wait3A_1168, %dma_wait3A_1169, %dma_wait3A_1170] : memref<10x64x128xf32, #tpu.memory_space<vmem>> -> memref<1x64x128xf32, #tpu.memory_space<vmem>>
        %dma_wait3A_1172 = tpu.memref_squeeze %dma_wait3A_1171 : memref<1x64x128xf32, #tpu.memory_space<vmem>> -> memref<64x128xf32, #tpu.memory_space<vmem>>
        %dma_wait3A_1173 = arith.constant 0 : i32
        %dma_wait3A_1174 = tpu.memref_slice %arg4[%mul3A_2, %dma_wait3A_1173] : memref<204800x128xf32, #tpu.memory_space<hbm>> -> memref<64x128xf32, #tpu.memory_space<hbm>>
        %dma_wait3A_1175 = arith.constant 0 : i32
        %dma_wait3A_1176 = tpu.memref_slice %arg4[%mul3A_2, %dma_wait3A_1175] : memref<204800x128xf32, #tpu.memory_space<hbm>> -> memref<64x128xf32, #tpu.memory_space<hbm>>
        %dma_wait3A_1177 = arith.constant 0 : i32
        %dma_wait3A_1178 = arith.constant 0 : i32
        %dma_wait3A_1179 = tpu.memref_slice %arg6[%dma_wait3A_1168, %dma_wait3A_1177, %dma_wait3A_1178] : memref<10x64x128xf32, #tpu.memory_space<vmem>> -> memref<1x64x128xf32, #tpu.memory_space<vmem>>
        %dma_wait3A_1180 = tpu.memref_squeeze %dma_wait3A_1179 : memref<1x64x128xf32, #tpu.memory_space<vmem>> -> memref<64x128xf32, #tpu.memory_space<vmem>>
        tpu.wait_dma2 semaphore(%arg25 : memref<!tpu.dma_semaphore, #tpu.memory_space<semaphore_mem>>) src(%dma_wait3A_1180 : memref<64x128xf32, #tpu.memory_space<vmem>>) dst(%dma_wait3A_1176 : memref<64x128xf32, #tpu.memory_space<hbm>>)
      } else {
      }
      %get3A_651 = arith.index_cast %add3A_645 : i32 to index
      %get3A_652 = arith.constant 0 : index
      %get3A_653 = tpu.vector_load %arg5[%get3A_651, %get3A_652] {strides = array<i32>} : memref<100x64xi32, #tpu.memory_space<vmem>>, vector<1x16xi32>,
      %get3A_654 = vector.shape_cast %get3A_653 : vector<1x16xi32> to vector<16xi32>
      %abs3A_655 = math.absi %get3A_654 : vector<16xi32>
      %min3A_656 = arith.constant 3649 : i32
      %min3A_657 = vector.broadcast %min3A_656 : i32 to vector<16xi32>
      %min3A_658 = arith.minsi %abs3A_655, %min3A_657 : vector<16xi32>
      %swap3A_659 = arith.index_cast %add3A_645 : i32 to index
      %swap3A_660 = arith.constant 0 : index
      %swap3A_661 = tpu.vector_load %arg5[%swap3A_659, %swap3A_660] {strides = array<i32>} : memref<100x64xi32, #tpu.memory_space<vmem>>, vector<1x16xi32>,
      %swap3A_662 = vector.shape_cast %swap3A_661 : vector<1x16xi32> to vector<16xi32>
      %swap3A_663 = vector.shape_cast %min3A_658 : vector<16xi32> to vector<1x16xi32>
      tpu.vector_store %arg5[%swap3A_659, %swap3A_660], %swap3A_663 {strides = array<i32>} : memref<100x64xi32, #tpu.memory_space<vmem>>, vector<1x16xi32>,
      %get3A_664 = arith.index_cast %add3A_645 : i32 to index
      %get3A_665 = arith.constant 16 : index
      %get3A_666 = tpu.vector_load %arg5[%get3A_664, %get3A_665] {strides = array<i32>} : memref<100x64xi32, #tpu.memory_space<vmem>>, vector<1x16xi32>,
      %get3A_667 = vector.shape_cast %get3A_666 : vector<1x16xi32> to vector<16xi32>
      %abs3A_668 = math.absi %get3A_667 : vector<16xi32>
      %min3A_669 = arith.constant 3649 : i32
      %min3A_670 = vector.broadcast %min3A_669 : i32 to vector<16xi32>
      %min3A_671 = arith.minsi %abs3A_668, %min3A_670 : vector<16xi32>
      %swap3A_672 = arith.index_cast %add3A_645 : i32 to index
      %swap3A_673 = arith.constant 16 : index
      %swap3A_674 = tpu.vector_load %arg5[%swap3A_672, %swap3A_673] {strides = array<i32>} : memref<100x64xi32, #tpu.memory_space<vmem>>, vector<1x16xi32>,
      %swap3A_675 = vector.shape_cast %swap3A_674 : vector<1x16xi32> to vector<16xi32>
      %swap3A_676 = vector.shape_cast %min3A_671 : vector<16xi32> to vector<1x16xi32>
      tpu.vector_store %arg5[%swap3A_672, %swap3A_673], %swap3A_676 {strides = array<i32>} : memref<100x64xi32, #tpu.memory_space<vmem>>, vector<1x16xi32>,
      %get3A_677 = arith.index_cast %add3A_645 : i32 to index
      %get3A_678 = arith.constant 32 : index
      %get3A_679 = tpu.vector_load %arg5[%get3A_677, %get3A_678] {strides = array<i32>} : memref<100x64xi32, #tpu.memory_space<vmem>>, vector<1x16xi32>,
      %get3A_680 = vector.shape_cast %get3A_679 : vector<1x16xi32> to vector<16xi32>
      %abs3A_681 = math.absi %get3A_680 : vector<16xi32>
      %min3A_682 = arith.constant 3649 : i32
      %min3A_683 = vector.broadcast %min3A_682 : i32 to vector<16xi32>
      %min3A_684 = arith.minsi %abs3A_681, %min3A_683 : vector<16xi32>
      %swap3A_685 = arith.index_cast %add3A_645 : i32 to index
      %swap3A_686 = arith.constant 32 : index
      %swap3A_687 = tpu.vector_load %arg5[%swap3A_685, %swap3A_686] {strides = array<i32>} : memref<100x64xi32, #tpu.memory_space<vmem>>, vector<1x16xi32>,
      %swap3A_688 = vector.shape_cast %swap3A_687 : vector<1x16xi32> to vector<16xi32>
      %swap3A_689 = vector.shape_cast %min3A_684 : vector<16xi32> to vector<1x16xi32>
      tpu.vector_store %arg5[%swap3A_685, %swap3A_686], %swap3A_689 {strides = array<i32>} : memref<100x64xi32, #tpu.memory_space<vmem>>, vector<1x16xi32>,
      %get3A_690 = arith.index_cast %add3A_645 : i32 to index
      %get3A_691 = arith.constant 48 : index
      %get3A_692 = tpu.vector_load %arg5[%get3A_690, %get3A_691] {strides = array<i32>} : memref<100x64xi32, #tpu.memory_space<vmem>>, vector<1x16xi32>,
      %get3A_693 = vector.shape_cast %get3A_692 : vector<1x16xi32> to vector<16xi32>
      %abs3A_694 = math.absi %get3A_693 : vector<16xi32>
      %min3A_695 = arith.constant 3649 : i32
      %min3A_696 = vector.broadcast %min3A_695 : i32 to vector<16xi32>
      %min3A_697 = arith.minsi %abs3A_694, %min3A_696 : vector<16xi32>
      %swap3A_698 = arith.index_cast %add3A_645 : i32 to index
      %swap3A_699 = arith.constant 48 : index
      %swap3A_700 = tpu.vector_load %arg5[%swap3A_698, %swap3A_699] {strides = array<i32>} : memref<100x64xi32, #tpu.memory_space<vmem>>, vector<1x16xi32>,
      %swap3A_701 = vector.shape_cast %swap3A_700 : vector<1x16xi32> to vector<16xi32>
      %swap3A_702 = vector.shape_cast %min3A_697 : vector<16xi32> to vector<1x16xi32>
      tpu.vector_store %arg5[%swap3A_698, %swap3A_699], %swap3A_702 {strides = array<i32>} : memref<100x64xi32, #tpu.memory_space<vmem>>, vector<1x16xi32>,
      %dma_start3A_703 = arith.constant 7 : i32
      %dma_start3A_704 = arith.constant 0 : i32
      %dma_start3A_705 = arith.constant 0 : i32
      %dma_start3A_706 = tpu.memref_slice %arg6[%dma_start3A_703, %dma_start3A_704, %dma_start3A_705] : memref<10x64x128xf32, #tpu.memory_space<vmem>> -> memref<1x64x128xf32, #tpu.memory_space<vmem>>
      %dma_start3A_707 = tpu.memref_squeeze %dma_start3A_706 : memref<1x64x128xf32, #tpu.memory_space<vmem>> -> memref<64x128xf32, #tpu.memory_space<vmem>>
      %dma_start3A_708 = arith.constant 0 : i32
      %dma_start3A_709 = tpu.memref_slice %arg5[%add3A_645, %dma_start3A_708] : memref<100x64xi32, #tpu.memory_space<vmem>> -> memref<1x64xi32, #tpu.memory_space<vmem>>
      %dma_start3A_710 = tpu.memref_squeeze %dma_start3A_709 : memref<1x64xi32, #tpu.memory_space<vmem>> -> memref<64xi32, #tpu.memory_space<vmem>>
      %dma_start3A_711 = arith.constant 0 : i32
      %dma_start3A_712 = arith.constant 0 : i32
      %dma_start3A_713 = tpu.memref_slice %arg7[%dma_start3A_711, %dma_start3A_712] : memref<3650x128xf32, #tpu.memory_space<vmem_shared>> -> memref<3650x128xf32, #tpu.memory_space<vmem_shared>>
      tpu.enqueue_indirect_dma source(%dma_start3A_713 : memref<3650x128xf32, #tpu.memory_space<vmem_shared>>) target(%dma_start3A_707 : memref<64x128xf32, #tpu.memory_space<vmem>>) offsets(%dma_start3A_710 : memref<64xi32, #tpu.memory_space<vmem>>) semaphore(%arg15 : memref<!tpu.dma_semaphore, #tpu.memory_space<semaphore_mem>>)
      %mul3A_714 = arith.constant 10 : i32
      %mul3A_715 = arith.muli %scan3A_143, %mul3A_714 : i32
      %add3A_716 = arith.constant 8 : i32
      %add3A_717 = arith.addi %mul3A_715, %add3A_716 : i32
      %gt3A_718 = arith.constant 0 : i32
      %gt3A_719 = arith.cmpi sgt, %scan3A_143, %gt3A_718 : i32
      %convert_element_type3A_720 = arith.extui %gt3A_719 : i1 to i32
      %cond3A_721 = arith.constant 0 : i32
      %cond3A_722 = arith.cmpi ne, %convert_element_type3A_720, %cond3A_721 : i32
      scf.if %cond3A_722 {
        %dma_wait3A_1168 = arith.constant 8 : i32
        %dma_wait3A_1169 = arith.constant 0 : i32
        %dma_wait3A_1170 = arith.constant 0 : i32
        %dma_wait3A_1171 = tpu.memref_slice %arg6[%dma_wait3A_1168, %dma_wait3A_1169, %dma_wait3A_1170] : memref<10x64x128xf32, #tpu.memory_space<vmem>> -> memref<1x64x128xf32, #tpu.memory_space<vmem>>
        %dma_wait3A_1172 = tpu.memref_squeeze %dma_wait3A_1171 : memref<1x64x128xf32, #tpu.memory_space<vmem>> -> memref<64x128xf32, #tpu.memory_space<vmem>>
        %dma_wait3A_1173 = arith.constant 0 : i32
        %dma_wait3A_1174 = tpu.memref_slice %arg4[%mul3A_2, %dma_wait3A_1173] : memref<204800x128xf32, #tpu.memory_space<hbm>> -> memref<64x128xf32, #tpu.memory_space<hbm>>
        %dma_wait3A_1175 = arith.constant 0 : i32
        %dma_wait3A_1176 = tpu.memref_slice %arg4[%mul3A_2, %dma_wait3A_1175] : memref<204800x128xf32, #tpu.memory_space<hbm>> -> memref<64x128xf32, #tpu.memory_space<hbm>>
        %dma_wait3A_1177 = arith.constant 0 : i32
        %dma_wait3A_1178 = arith.constant 0 : i32
        %dma_wait3A_1179 = tpu.memref_slice %arg6[%dma_wait3A_1168, %dma_wait3A_1177, %dma_wait3A_1178] : memref<10x64x128xf32, #tpu.memory_space<vmem>> -> memref<1x64x128xf32, #tpu.memory_space<vmem>>
        %dma_wait3A_1180 = tpu.memref_squeeze %dma_wait3A_1179 : memref<1x64x128xf32, #tpu.memory_space<vmem>> -> memref<64x128xf32, #tpu.memory_space<vmem>>
        tpu.wait_dma2 semaphore(%arg26 : memref<!tpu.dma_semaphore, #tpu.memory_space<semaphore_mem>>) src(%dma_wait3A_1180 : memref<64x128xf32, #tpu.memory_space<vmem>>) dst(%dma_wait3A_1176 : memref<64x128xf32, #tpu.memory_space<hbm>>)
      } else {
      }
      %get3A_723 = arith.index_cast %add3A_717 : i32 to index
      %get3A_724 = arith.constant 0 : index
      %get3A_725 = tpu.vector_load %arg5[%get3A_723, %get3A_724] {strides = array<i32>} : memref<100x64xi32, #tpu.memory_space<vmem>>, vector<1x16xi32>,
      %get3A_726 = vector.shape_cast %get3A_725 : vector<1x16xi32> to vector<16xi32>
      %abs3A_727 = math.absi %get3A_726 : vector<16xi32>
      %min3A_728 = arith.constant 3649 : i32
      %min3A_729 = vector.broadcast %min3A_728 : i32 to vector<16xi32>
      %min3A_730 = arith.minsi %abs3A_727, %min3A_729 : vector<16xi32>
      %swap3A_731 = arith.index_cast %add3A_717 : i32 to index
      %swap3A_732 = arith.constant 0 : index
      %swap3A_733 = tpu.vector_load %arg5[%swap3A_731, %swap3A_732] {strides = array<i32>} : memref<100x64xi32, #tpu.memory_space<vmem>>, vector<1x16xi32>,
      %swap3A_734 = vector.shape_cast %swap3A_733 : vector<1x16xi32> to vector<16xi32>
      %swap3A_735 = vector.shape_cast %min3A_730 : vector<16xi32> to vector<1x16xi32>
      tpu.vector_store %arg5[%swap3A_731, %swap3A_732], %swap3A_735 {strides = array<i32>} : memref<100x64xi32, #tpu.memory_space<vmem>>, vector<1x16xi32>,
      %get3A_736 = arith.index_cast %add3A_717 : i32 to index
      %get3A_737 = arith.constant 16 : index
      %get3A_738 = tpu.vector_load %arg5[%get3A_736, %get3A_737] {strides = array<i32>} : memref<100x64xi32, #tpu.memory_space<vmem>>, vector<1x16xi32>,
      %get3A_739 = vector.shape_cast %get3A_738 : vector<1x16xi32> to vector<16xi32>
      %abs3A_740 = math.absi %get3A_739 : vector<16xi32>
      %min3A_741 = arith.constant 3649 : i32
      %min3A_742 = vector.broadcast %min3A_741 : i32 to vector<16xi32>
      %min3A_743 = arith.minsi %abs3A_740, %min3A_742 : vector<16xi32>
      %swap3A_744 = arith.index_cast %add3A_717 : i32 to index
      %swap3A_745 = arith.constant 16 : index
      %swap3A_746 = tpu.vector_load %arg5[%swap3A_744, %swap3A_745] {strides = array<i32>} : memref<100x64xi32, #tpu.memory_space<vmem>>, vector<1x16xi32>,
      %swap3A_747 = vector.shape_cast %swap3A_746 : vector<1x16xi32> to vector<16xi32>
      %swap3A_748 = vector.shape_cast %min3A_743 : vector<16xi32> to vector<1x16xi32>
      tpu.vector_store %arg5[%swap3A_744, %swap3A_745], %swap3A_748 {strides = array<i32>} : memref<100x64xi32, #tpu.memory_space<vmem>>, vector<1x16xi32>,
      %get3A_749 = arith.index_cast %add3A_717 : i32 to index
      %get3A_750 = arith.constant 32 : index
      %get3A_751 = tpu.vector_load %arg5[%get3A_749, %get3A_750] {strides = array<i32>} : memref<100x64xi32, #tpu.memory_space<vmem>>, vector<1x16xi32>,
      %get3A_752 = vector.shape_cast %get3A_751 : vector<1x16xi32> to vector<16xi32>
      %abs3A_753 = math.absi %get3A_752 : vector<16xi32>
      %min3A_754 = arith.constant 3649 : i32
      %min3A_755 = vector.broadcast %min3A_754 : i32 to vector<16xi32>
      %min3A_756 = arith.minsi %abs3A_753, %min3A_755 : vector<16xi32>
      %swap3A_757 = arith.index_cast %add3A_717 : i32 to index
      %swap3A_758 = arith.constant 32 : index
      %swap3A_759 = tpu.vector_load %arg5[%swap3A_757, %swap3A_758] {strides = array<i32>} : memref<100x64xi32, #tpu.memory_space<vmem>>, vector<1x16xi32>,
      %swap3A_760 = vector.shape_cast %swap3A_759 : vector<1x16xi32> to vector<16xi32>
      %swap3A_761 = vector.shape_cast %min3A_756 : vector<16xi32> to vector<1x16xi32>
      tpu.vector_store %arg5[%swap3A_757, %swap3A_758], %swap3A_761 {strides = array<i32>} : memref<100x64xi32, #tpu.memory_space<vmem>>, vector<1x16xi32>,
      %get3A_762 = arith.index_cast %add3A_717 : i32 to index
      %get3A_763 = arith.constant 48 : index
      %get3A_764 = tpu.vector_load %arg5[%get3A_762, %get3A_763] {strides = array<i32>} : memref<100x64xi32, #tpu.memory_space<vmem>>, vector<1x16xi32>,
      %get3A_765 = vector.shape_cast %get3A_764 : vector<1x16xi32> to vector<16xi32>
      %abs3A_766 = math.absi %get3A_765 : vector<16xi32>
      %min3A_767 = arith.constant 3649 : i32
      %min3A_768 = vector.broadcast %min3A_767 : i32 to vector<16xi32>
      %min3A_769 = arith.minsi %abs3A_766, %min3A_768 : vector<16xi32>
      %swap3A_770 = arith.index_cast %add3A_717 : i32 to index
      %swap3A_771 = arith.constant 48 : index
      %swap3A_772 = tpu.vector_load %arg5[%swap3A_770, %swap3A_771] {strides = array<i32>} : memref<100x64xi32, #tpu.memory_space<vmem>>, vector<1x16xi32>,
      %swap3A_773 = vector.shape_cast %swap3A_772 : vector<1x16xi32> to vector<16xi32>
      %swap3A_774 = vector.shape_cast %min3A_769 : vector<16xi32> to vector<1x16xi32>
      tpu.vector_store %arg5[%swap3A_770, %swap3A_771], %swap3A_774 {strides = array<i32>} : memref<100x64xi32, #tpu.memory_space<vmem>>, vector<1x16xi32>,
      %dma_start3A_775 = arith.constant 8 : i32
      %dma_start3A_776 = arith.constant 0 : i32
      %dma_start3A_777 = arith.constant 0 : i32
      %dma_start3A_778 = tpu.memref_slice %arg6[%dma_start3A_775, %dma_start3A_776, %dma_start3A_777] : memref<10x64x128xf32, #tpu.memory_space<vmem>> -> memref<1x64x128xf32, #tpu.memory_space<vmem>>
      %dma_start3A_779 = tpu.memref_squeeze %dma_start3A_778 : memref<1x64x128xf32, #tpu.memory_space<vmem>> -> memref<64x128xf32, #tpu.memory_space<vmem>>
      %dma_start3A_780 = arith.constant 0 : i32
      %dma_start3A_781 = tpu.memref_slice %arg5[%add3A_717, %dma_start3A_780] : memref<100x64xi32, #tpu.memory_space<vmem>> -> memref<1x64xi32, #tpu.memory_space<vmem>>
      %dma_start3A_782 = tpu.memref_squeeze %dma_start3A_781 : memref<1x64xi32, #tpu.memory_space<vmem>> -> memref<64xi32, #tpu.memory_space<vmem>>
      %dma_start3A_783 = arith.constant 0 : i32
      %dma_start3A_784 = arith.constant 0 : i32
      %dma_start3A_785 = tpu.memref_slice %arg7[%dma_start3A_783, %dma_start3A_784] : memref<3650x128xf32, #tpu.memory_space<vmem_shared>> -> memref<3650x128xf32, #tpu.memory_space<vmem_shared>>
      tpu.enqueue_indirect_dma source(%dma_start3A_785 : memref<3650x128xf32, #tpu.memory_space<vmem_shared>>) target(%dma_start3A_779 : memref<64x128xf32, #tpu.memory_space<vmem>>) offsets(%dma_start3A_782 : memref<64xi32, #tpu.memory_space<vmem>>) semaphore(%arg16 : memref<!tpu.dma_semaphore, #tpu.memory_space<semaphore_mem>>)
      %mul3A_786 = arith.constant 10 : i32
      %mul3A_787 = arith.muli %scan3A_143, %mul3A_786 : i32
      %add3A_788 = arith.constant 9 : i32
      %add3A_789 = arith.addi %mul3A_787, %add3A_788 : i32
      %gt3A_790 = arith.constant 0 : i32
      %gt3A_791 = arith.cmpi sgt, %scan3A_143, %gt3A_790 : i32
      %convert_element_type3A_792 = arith.extui %gt3A_791 : i1 to i32
      %cond3A_793 = arith.constant 0 : i32
      %cond3A_794 = arith.cmpi ne, %convert_element_type3A_792, %cond3A_793 : i32
      scf.if %cond3A_794 {
        %dma_wait3A_1168 = arith.constant 9 : i32
        %dma_wait3A_1169 = arith.constant 0 : i32
        %dma_wait3A_1170 = arith.constant 0 : i32
        %dma_wait3A_1171 = tpu.memref_slice %arg6[%dma_wait3A_1168, %dma_wait3A_1169, %dma_wait3A_1170] : memref<10x64x128xf32, #tpu.memory_space<vmem>> -> memref<1x64x128xf32, #tpu.memory_space<vmem>>
        %dma_wait3A_1172 = tpu.memref_squeeze %dma_wait3A_1171 : memref<1x64x128xf32, #tpu.memory_space<vmem>> -> memref<64x128xf32, #tpu.memory_space<vmem>>
        %dma_wait3A_1173 = arith.constant 0 : i32
        %dma_wait3A_1174 = tpu.memref_slice %arg4[%mul3A_2, %dma_wait3A_1173] : memref<204800x128xf32, #tpu.memory_space<hbm>> -> memref<64x128xf32, #tpu.memory_space<hbm>>
        %dma_wait3A_1175 = arith.constant 0 : i32
        %dma_wait3A_1176 = tpu.memref_slice %arg4[%mul3A_2, %dma_wait3A_1175] : memref<204800x128xf32, #tpu.memory_space<hbm>> -> memref<64x128xf32, #tpu.memory_space<hbm>>
        %dma_wait3A_1177 = arith.constant 0 : i32
        %dma_wait3A_1178 = arith.constant 0 : i32
        %dma_wait3A_1179 = tpu.memref_slice %arg6[%dma_wait3A_1168, %dma_wait3A_1177, %dma_wait3A_1178] : memref<10x64x128xf32, #tpu.memory_space<vmem>> -> memref<1x64x128xf32, #tpu.memory_space<vmem>>
        %dma_wait3A_1180 = tpu.memref_squeeze %dma_wait3A_1179 : memref<1x64x128xf32, #tpu.memory_space<vmem>> -> memref<64x128xf32, #tpu.memory_space<vmem>>
        tpu.wait_dma2 semaphore(%arg27 : memref<!tpu.dma_semaphore, #tpu.memory_space<semaphore_mem>>) src(%dma_wait3A_1180 : memref<64x128xf32, #tpu.memory_space<vmem>>) dst(%dma_wait3A_1176 : memref<64x128xf32, #tpu.memory_space<hbm>>)
      } else {
      }
      %get3A_795 = arith.index_cast %add3A_789 : i32 to index
      %get3A_796 = arith.constant 0 : index
      %get3A_797 = tpu.vector_load %arg5[%get3A_795, %get3A_796] {strides = array<i32>} : memref<100x64xi32, #tpu.memory_space<vmem>>, vector<1x16xi32>,
      %get3A_798 = vector.shape_cast %get3A_797 : vector<1x16xi32> to vector<16xi32>
      %abs3A_799 = math.absi %get3A_798 : vector<16xi32>
      %min3A_800 = arith.constant 3649 : i32
      %min3A_801 = vector.broadcast %min3A_800 : i32 to vector<16xi32>
      %min3A_802 = arith.minsi %abs3A_799, %min3A_801 : vector<16xi32>
      %swap3A_803 = arith.index_cast %add3A_789 : i32 to index
      %swap3A_804 = arith.constant 0 : index
      %swap3A_805 = tpu.vector_load %arg5[%swap3A_803, %swap3A_804] {strides = array<i32>} : memref<100x64xi32, #tpu.memory_space<vmem>>, vector<1x16xi32>,
      %swap3A_806 = vector.shape_cast %swap3A_805 : vector<1x16xi32> to vector<16xi32>
      %swap3A_807 = vector.shape_cast %min3A_802 : vector<16xi32> to vector<1x16xi32>
      tpu.vector_store %arg5[%swap3A_803, %swap3A_804], %swap3A_807 {strides = array<i32>} : memref<100x64xi32, #tpu.memory_space<vmem>>, vector<1x16xi32>,
      %get3A_808 = arith.index_cast %add3A_789 : i32 to index
      %get3A_809 = arith.constant 16 : index
      %get3A_810 = tpu.vector_load %arg5[%get3A_808, %get3A_809] {strides = array<i32>} : memref<100x64xi32, #tpu.memory_space<vmem>>, vector<1x16xi32>,
      %get3A_811 = vector.shape_cast %get3A_810 : vector<1x16xi32> to vector<16xi32>
      %abs3A_812 = math.absi %get3A_811 : vector<16xi32>
      %min3A_813 = arith.constant 3649 : i32
      %min3A_814 = vector.broadcast %min3A_813 : i32 to vector<16xi32>
      %min3A_815 = arith.minsi %abs3A_812, %min3A_814 : vector<16xi32>
      %swap3A_816 = arith.index_cast %add3A_789 : i32 to index
      %swap3A_817 = arith.constant 16 : index
      %swap3A_818 = tpu.vector_load %arg5[%swap3A_816, %swap3A_817] {strides = array<i32>} : memref<100x64xi32, #tpu.memory_space<vmem>>, vector<1x16xi32>,
      %swap3A_819 = vector.shape_cast %swap3A_818 : vector<1x16xi32> to vector<16xi32>
      %swap3A_820 = vector.shape_cast %min3A_815 : vector<16xi32> to vector<1x16xi32>
      tpu.vector_store %arg5[%swap3A_816, %swap3A_817], %swap3A_820 {strides = array<i32>} : memref<100x64xi32, #tpu.memory_space<vmem>>, vector<1x16xi32>,
      %get3A_821 = arith.index_cast %add3A_789 : i32 to index
      %get3A_822 = arith.constant 32 : index
      %get3A_823 = tpu.vector_load %arg5[%get3A_821, %get3A_822] {strides = array<i32>} : memref<100x64xi32, #tpu.memory_space<vmem>>, vector<1x16xi32>,
      %get3A_824 = vector.shape_cast %get3A_823 : vector<1x16xi32> to vector<16xi32>
      %abs3A_825 = math.absi %get3A_824 : vector<16xi32>
      %min3A_826 = arith.constant 3649 : i32
      %min3A_827 = vector.broadcast %min3A_826 : i32 to vector<16xi32>
      %min3A_828 = arith.minsi %abs3A_825, %min3A_827 : vector<16xi32>
      %swap3A_829 = arith.index_cast %add3A_789 : i32 to index
      %swap3A_830 = arith.constant 32 : index
      %swap3A_831 = tpu.vector_load %arg5[%swap3A_829, %swap3A_830] {strides = array<i32>} : memref<100x64xi32, #tpu.memory_space<vmem>>, vector<1x16xi32>,
      %swap3A_832 = vector.shape_cast %swap3A_831 : vector<1x16xi32> to vector<16xi32>
      %swap3A_833 = vector.shape_cast %min3A_828 : vector<16xi32> to vector<1x16xi32>
      tpu.vector_store %arg5[%swap3A_829, %swap3A_830], %swap3A_833 {strides = array<i32>} : memref<100x64xi32, #tpu.memory_space<vmem>>, vector<1x16xi32>,
      %get3A_834 = arith.index_cast %add3A_789 : i32 to index
      %get3A_835 = arith.constant 48 : index
      %get3A_836 = tpu.vector_load %arg5[%get3A_834, %get3A_835] {strides = array<i32>} : memref<100x64xi32, #tpu.memory_space<vmem>>, vector<1x16xi32>,
      %get3A_837 = vector.shape_cast %get3A_836 : vector<1x16xi32> to vector<16xi32>
      %abs3A_838 = math.absi %get3A_837 : vector<16xi32>
      %min3A_839 = arith.constant 3649 : i32
      %min3A_840 = vector.broadcast %min3A_839 : i32 to vector<16xi32>
      %min3A_841 = arith.minsi %abs3A_838, %min3A_840 : vector<16xi32>
      %swap3A_842 = arith.index_cast %add3A_789 : i32 to index
      %swap3A_843 = arith.constant 48 : index
      %swap3A_844 = tpu.vector_load %arg5[%swap3A_842, %swap3A_843] {strides = array<i32>} : memref<100x64xi32, #tpu.memory_space<vmem>>, vector<1x16xi32>,
      %swap3A_845 = vector.shape_cast %swap3A_844 : vector<1x16xi32> to vector<16xi32>
      %swap3A_846 = vector.shape_cast %min3A_841 : vector<16xi32> to vector<1x16xi32>
      tpu.vector_store %arg5[%swap3A_842, %swap3A_843], %swap3A_846 {strides = array<i32>} : memref<100x64xi32, #tpu.memory_space<vmem>>, vector<1x16xi32>,
      %dma_start3A_847 = arith.constant 9 : i32
      %dma_start3A_848 = arith.constant 0 : i32
      %dma_start3A_849 = arith.constant 0 : i32
      %dma_start3A_850 = tpu.memref_slice %arg6[%dma_start3A_847, %dma_start3A_848, %dma_start3A_849] : memref<10x64x128xf32, #tpu.memory_space<vmem>> -> memref<1x64x128xf32, #tpu.memory_space<vmem>>
      %dma_start3A_851 = tpu.memref_squeeze %dma_start3A_850 : memref<1x64x128xf32, #tpu.memory_space<vmem>> -> memref<64x128xf32, #tpu.memory_space<vmem>>
      %dma_start3A_852 = arith.constant 0 : i32
      %dma_start3A_853 = tpu.memref_slice %arg5[%add3A_789, %dma_start3A_852] : memref<100x64xi32, #tpu.memory_space<vmem>> -> memref<1x64xi32, #tpu.memory_space<vmem>>
      %dma_start3A_854 = tpu.memref_squeeze %dma_start3A_853 : memref<1x64xi32, #tpu.memory_space<vmem>> -> memref<64xi32, #tpu.memory_space<vmem>>
      %dma_start3A_855 = arith.constant 0 : i32
      %dma_start3A_856 = arith.constant 0 : i32
      %dma_start3A_857 = tpu.memref_slice %arg7[%dma_start3A_855, %dma_start3A_856] : memref<3650x128xf32, #tpu.memory_space<vmem_shared>> -> memref<3650x128xf32, #tpu.memory_space<vmem_shared>>
      tpu.enqueue_indirect_dma source(%dma_start3A_857 : memref<3650x128xf32, #tpu.memory_space<vmem_shared>>) target(%dma_start3A_851 : memref<64x128xf32, #tpu.memory_space<vmem>>) offsets(%dma_start3A_854 : memref<64xi32, #tpu.memory_space<vmem>>) semaphore(%arg17 : memref<!tpu.dma_semaphore, #tpu.memory_space<semaphore_mem>>)
      %mul3A_858 = arith.constant 10 : i32
      %mul3A_859 = arith.muli %scan3A_143, %mul3A_858 : i32
      %add3A_860 = arith.constant 0 : i32
      %add3A_861 = arith.addi %mul3A_859, %add3A_860 : i32
      %dma_wait3A_862 = arith.constant 0 : i32
      %dma_wait3A_863 = arith.constant 0 : i32
      %dma_wait3A_864 = arith.constant 0 : i32
      %dma_wait3A_865 = tpu.memref_slice %arg6[%dma_wait3A_862, %dma_wait3A_863, %dma_wait3A_864] : memref<10x64x128xf32, #tpu.memory_space<vmem>> -> memref<1x64x128xf32, #tpu.memory_space<vmem>>
      %dma_wait3A_866 = tpu.memref_squeeze %dma_wait3A_865 : memref<1x64x128xf32, #tpu.memory_space<vmem>> -> memref<64x128xf32, #tpu.memory_space<vmem>>
      %dma_wait3A_867 = arith.constant 0 : i32
      %dma_wait3A_868 = tpu.memref_slice %arg5[%add3A_147, %dma_wait3A_867] : memref<100x64xi32, #tpu.memory_space<vmem>> -> memref<1x64xi32, #tpu.memory_space<vmem>>
      %dma_wait3A_869 = tpu.memref_squeeze %dma_wait3A_868 : memref<1x64xi32, #tpu.memory_space<vmem>> -> memref<64xi32, #tpu.memory_space<vmem>>
      %dma_wait3A_870 = arith.constant 0 : i32
      %dma_wait3A_871 = arith.constant 0 : i32
      %dma_wait3A_872 = tpu.memref_slice %arg7[%dma_wait3A_870, %dma_wait3A_871] : memref<3650x128xf32, #tpu.memory_space<vmem_shared>> -> memref<3650x128xf32, #tpu.memory_space<vmem_shared>>
      tpu.wait_indirect_dma semaphore(%arg8 : memref<!tpu.dma_semaphore, #tpu.memory_space<semaphore_mem>>) src(%dma_wait3A_872 : memref<3650x128xf32, #tpu.memory_space<vmem_shared>>) dst(%dma_wait3A_866 : memref<64x128xf32, #tpu.memory_space<vmem>>)
      %mul3A_873 = arith.constant 64 : i32
      %mul3A_874 = arith.muli %add3A_861, %mul3A_873 : i32
      %add3A_875 = arith.addi %mul3A_2, %mul3A_874 : i32
      %dma_start3A_876 = arith.constant 0 : i32
      %dma_start3A_877 = arith.constant 0 : i32
      %dma_start3A_878 = arith.constant 0 : i32
      %dma_start3A_879 = tpu.memref_slice %arg6[%dma_start3A_876, %dma_start3A_877, %dma_start3A_878] : memref<10x64x128xf32, #tpu.memory_space<vmem>> -> memref<1x64x128xf32, #tpu.memory_space<vmem>>
      %dma_start3A_880 = tpu.memref_squeeze %dma_start3A_879 : memref<1x64x128xf32, #tpu.memory_space<vmem>> -> memref<64x128xf32, #tpu.memory_space<vmem>>
      %dma_start3A_881 = arith.constant 0 : i32
      %dma_start3A_882 = tpu.memref_slice %arg4[%add3A_875, %dma_start3A_881] : memref<204800x128xf32, #tpu.memory_space<hbm>> -> memref<64x128xf32, #tpu.memory_space<hbm>>
      %dma_start3A_883 = arith.constant 0 : i32
      %dma_start3A_884 = tpu.memref_slice %arg4[%add3A_875, %dma_start3A_883] : memref<204800x128xf32, #tpu.memory_space<hbm>> -> memref<64x128xf32, #tpu.memory_space<hbm>>
      %dma_start3A_885 = arith.constant 0 : i32
      %dma_start3A_886 = arith.constant 0 : i32
      %dma_start3A_887 = tpu.memref_slice %arg6[%dma_start3A_876, %dma_start3A_885, %dma_start3A_886] : memref<10x64x128xf32, #tpu.memory_space<vmem>> -> memref<1x64x128xf32, #tpu.memory_space<vmem>>
      %dma_start3A_888 = tpu.memref_squeeze %dma_start3A_887 : memref<1x64x128xf32, #tpu.memory_space<vmem>> -> memref<64x128xf32, #tpu.memory_space<vmem>>
      tpu.enqueue_dma source(%dma_start3A_888 : memref<64x128xf32, #tpu.memory_space<vmem>>) target(%dma_start3A_884 : memref<64x128xf32, #tpu.memory_space<hbm>>) target_semaphore(%arg18 : memref<!tpu.dma_semaphore, #tpu.memory_space<semaphore_mem>>)
      %mul3A_889 = arith.constant 10 : i32
      %mul3A_890 = arith.muli %scan3A_143, %mul3A_889 : i32
      %add3A_891 = arith.constant 1 : i32
      %add3A_892 = arith.addi %mul3A_890, %add3A_891 : i32
      %dma_wait3A_893 = arith.constant 1 : i32
      %dma_wait3A_894 = arith.constant 0 : i32
      %dma_wait3A_895 = arith.constant 0 : i32
      %dma_wait3A_896 = tpu.memref_slice %arg6[%dma_wait3A_893, %dma_wait3A_894, %dma_wait3A_895] : memref<10x64x128xf32, #tpu.memory_space<vmem>> -> memref<1x64x128xf32, #tpu.memory_space<vmem>>
      %dma_wait3A_897 = tpu.memref_squeeze %dma_wait3A_896 : memref<1x64x128xf32, #tpu.memory_space<vmem>> -> memref<64x128xf32, #tpu.memory_space<vmem>>
      %dma_wait3A_898 = arith.constant 0 : i32
      %dma_wait3A_899 = tpu.memref_slice %arg5[%add3A_213, %dma_wait3A_898] : memref<100x64xi32, #tpu.memory_space<vmem>> -> memref<1x64xi32, #tpu.memory_space<vmem>>
      %dma_wait3A_900 = tpu.memref_squeeze %dma_wait3A_899 : memref<1x64xi32, #tpu.memory_space<vmem>> -> memref<64xi32, #tpu.memory_space<vmem>>
      %dma_wait3A_901 = arith.constant 0 : i32
      %dma_wait3A_902 = arith.constant 0 : i32
      %dma_wait3A_903 = tpu.memref_slice %arg7[%dma_wait3A_901, %dma_wait3A_902] : memref<3650x128xf32, #tpu.memory_space<vmem_shared>> -> memref<3650x128xf32, #tpu.memory_space<vmem_shared>>
      tpu.wait_indirect_dma semaphore(%arg9 : memref<!tpu.dma_semaphore, #tpu.memory_space<semaphore_mem>>) src(%dma_wait3A_903 : memref<3650x128xf32, #tpu.memory_space<vmem_shared>>) dst(%dma_wait3A_897 : memref<64x128xf32, #tpu.memory_space<vmem>>)
      %mul3A_904 = arith.constant 64 : i32
      %mul3A_905 = arith.muli %add3A_892, %mul3A_904 : i32
      %add3A_906 = arith.addi %mul3A_2, %mul3A_905 : i32
      %dma_start3A_907 = arith.constant 1 : i32
      %dma_start3A_908 = arith.constant 0 : i32
      %dma_start3A_909 = arith.constant 0 : i32
      %dma_start3A_910 = tpu.memref_slice %arg6[%dma_start3A_907, %dma_start3A_908, %dma_start3A_909] : memref<10x64x128xf32, #tpu.memory_space<vmem>> -> memref<1x64x128xf32, #tpu.memory_space<vmem>>
      %dma_start3A_911 = tpu.memref_squeeze %dma_start3A_910 : memref<1x64x128xf32, #tpu.memory_space<vmem>> -> memref<64x128xf32, #tpu.memory_space<vmem>>
      %dma_start3A_912 = arith.constant 0 : i32
      %dma_start3A_913 = tpu.memref_slice %arg4[%add3A_906, %dma_start3A_912] : memref<204800x128xf32, #tpu.memory_space<hbm>> -> memref<64x128xf32, #tpu.memory_space<hbm>>
      %dma_start3A_914 = arith.constant 0 : i32
      %dma_start3A_915 = tpu.memref_slice %arg4[%add3A_906, %dma_start3A_914] : memref<204800x128xf32, #tpu.memory_space<hbm>> -> memref<64x128xf32, #tpu.memory_space<hbm>>
      %dma_start3A_916 = arith.constant 0 : i32
      %dma_start3A_917 = arith.constant 0 : i32
      %dma_start3A_918 = tpu.memref_slice %arg6[%dma_start3A_907, %dma_start3A_916, %dma_start3A_917] : memref<10x64x128xf32, #tpu.memory_space<vmem>> -> memref<1x64x128xf32, #tpu.memory_space<vmem>>
      %dma_start3A_919 = tpu.memref_squeeze %dma_start3A_918 : memref<1x64x128xf32, #tpu.memory_space<vmem>> -> memref<64x128xf32, #tpu.memory_space<vmem>>
      tpu.enqueue_dma source(%dma_start3A_919 : memref<64x128xf32, #tpu.memory_space<vmem>>) target(%dma_start3A_915 : memref<64x128xf32, #tpu.memory_space<hbm>>) target_semaphore(%arg19 : memref<!tpu.dma_semaphore, #tpu.memory_space<semaphore_mem>>)
      %mul3A_920 = arith.constant 10 : i32
      %mul3A_921 = arith.muli %scan3A_143, %mul3A_920 : i32
      %add3A_922 = arith.constant 2 : i32
      %add3A_923 = arith.addi %mul3A_921, %add3A_922 : i32
      %dma_wait3A_924 = arith.constant 2 : i32
      %dma_wait3A_925 = arith.constant 0 : i32
      %dma_wait3A_926 = arith.constant 0 : i32
      %dma_wait3A_927 = tpu.memref_slice %arg6[%dma_wait3A_924, %dma_wait3A_925, %dma_wait3A_926] : memref<10x64x128xf32, #tpu.memory_space<vmem>> -> memref<1x64x128xf32, #tpu.memory_space<vmem>>
      %dma_wait3A_928 = tpu.memref_squeeze %dma_wait3A_927 : memref<1x64x128xf32, #tpu.memory_space<vmem>> -> memref<64x128xf32, #tpu.memory_space<vmem>>
      %dma_wait3A_929 = arith.constant 0 : i32
      %dma_wait3A_930 = tpu.memref_slice %arg5[%add3A_285, %dma_wait3A_929] : memref<100x64xi32, #tpu.memory_space<vmem>> -> memref<1x64xi32, #tpu.memory_space<vmem>>
      %dma_wait3A_931 = tpu.memref_squeeze %dma_wait3A_930 : memref<1x64xi32, #tpu.memory_space<vmem>> -> memref<64xi32, #tpu.memory_space<vmem>>
      %dma_wait3A_932 = arith.constant 0 : i32
      %dma_wait3A_933 = arith.constant 0 : i32
      %dma_wait3A_934 = tpu.memref_slice %arg7[%dma_wait3A_932, %dma_wait3A_933] : memref<3650x128xf32, #tpu.memory_space<vmem_shared>> -> memref<3650x128xf32, #tpu.memory_space<vmem_shared>>
      tpu.wait_indirect_dma semaphore(%arg10 : memref<!tpu.dma_semaphore, #tpu.memory_space<semaphore_mem>>) src(%dma_wait3A_934 : memref<3650x128xf32, #tpu.memory_space<vmem_shared>>) dst(%dma_wait3A_928 : memref<64x128xf32, #tpu.memory_space<vmem>>)
      %mul3A_935 = arith.constant 64 : i32
      %mul3A_936 = arith.muli %add3A_923, %mul3A_935 : i32
      %add3A_937 = arith.addi %mul3A_2, %mul3A_936 : i32
      %dma_start3A_938 = arith.constant 2 : i32
      %dma_start3A_939 = arith.constant 0 : i32
      %dma_start3A_940 = arith.constant 0 : i32
      %dma_start3A_941 = tpu.memref_slice %arg6[%dma_start3A_938, %dma_start3A_939, %dma_start3A_940] : memref<10x64x128xf32, #tpu.memory_space<vmem>> -> memref<1x64x128xf32, #tpu.memory_space<vmem>>
      %dma_start3A_942 = tpu.memref_squeeze %dma_start3A_941 : memref<1x64x128xf32, #tpu.memory_space<vmem>> -> memref<64x128xf32, #tpu.memory_space<vmem>>
      %dma_start3A_943 = arith.constant 0 : i32
      %dma_start3A_944 = tpu.memref_slice %arg4[%add3A_937, %dma_start3A_943] : memref<204800x128xf32, #tpu.memory_space<hbm>> -> memref<64x128xf32, #tpu.memory_space<hbm>>
      %dma_start3A_945 = arith.constant 0 : i32
      %dma_start3A_946 = tpu.memref_slice %arg4[%add3A_937, %dma_start3A_945] : memref<204800x128xf32, #tpu.memory_space<hbm>> -> memref<64x128xf32, #tpu.memory_space<hbm>>
      %dma_start3A_947 = arith.constant 0 : i32
      %dma_start3A_948 = arith.constant 0 : i32
      %dma_start3A_949 = tpu.memref_slice %arg6[%dma_start3A_938, %dma_start3A_947, %dma_start3A_948] : memref<10x64x128xf32, #tpu.memory_space<vmem>> -> memref<1x64x128xf32, #tpu.memory_space<vmem>>
      %dma_start3A_950 = tpu.memref_squeeze %dma_start3A_949 : memref<1x64x128xf32, #tpu.memory_space<vmem>> -> memref<64x128xf32, #tpu.memory_space<vmem>>
      tpu.enqueue_dma source(%dma_start3A_950 : memref<64x128xf32, #tpu.memory_space<vmem>>) target(%dma_start3A_946 : memref<64x128xf32, #tpu.memory_space<hbm>>) target_semaphore(%arg20 : memref<!tpu.dma_semaphore, #tpu.memory_space<semaphore_mem>>)
      %mul3A_951 = arith.constant 10 : i32
      %mul3A_952 = arith.muli %scan3A_143, %mul3A_951 : i32
      %add3A_953 = arith.constant 3 : i32
      %add3A_954 = arith.addi %mul3A_952, %add3A_953 : i32
      %dma_wait3A_955 = arith.constant 3 : i32
      %dma_wait3A_956 = arith.constant 0 : i32
      %dma_wait3A_957 = arith.constant 0 : i32
      %dma_wait3A_958 = tpu.memref_slice %arg6[%dma_wait3A_955, %dma_wait3A_956, %dma_wait3A_957] : memref<10x64x128xf32, #tpu.memory_space<vmem>> -> memref<1x64x128xf32, #tpu.memory_space<vmem>>
      %dma_wait3A_959 = tpu.memref_squeeze %dma_wait3A_958 : memref<1x64x128xf32, #tpu.memory_space<vmem>> -> memref<64x128xf32, #tpu.memory_space<vmem>>
      %dma_wait3A_960 = arith.constant 0 : i32
      %dma_wait3A_961 = tpu.memref_slice %arg5[%add3A_357, %dma_wait3A_960] : memref<100x64xi32, #tpu.memory_space<vmem>> -> memref<1x64xi32, #tpu.memory_space<vmem>>
      %dma_wait3A_962 = tpu.memref_squeeze %dma_wait3A_961 : memref<1x64xi32, #tpu.memory_space<vmem>> -> memref<64xi32, #tpu.memory_space<vmem>>
      %dma_wait3A_963 = arith.constant 0 : i32
      %dma_wait3A_964 = arith.constant 0 : i32
      %dma_wait3A_965 = tpu.memref_slice %arg7[%dma_wait3A_963, %dma_wait3A_964] : memref<3650x128xf32, #tpu.memory_space<vmem_shared>> -> memref<3650x128xf32, #tpu.memory_space<vmem_shared>>
      tpu.wait_indirect_dma semaphore(%arg11 : memref<!tpu.dma_semaphore, #tpu.memory_space<semaphore_mem>>) src(%dma_wait3A_965 : memref<3650x128xf32, #tpu.memory_space<vmem_shared>>) dst(%dma_wait3A_959 : memref<64x128xf32, #tpu.memory_space<vmem>>)
      %mul3A_966 = arith.constant 64 : i32
      %mul3A_967 = arith.muli %add3A_954, %mul3A_966 : i32
      %add3A_968 = arith.addi %mul3A_2, %mul3A_967 : i32
      %dma_start3A_969 = arith.constant 3 : i32
      %dma_start3A_970 = arith.constant 0 : i32
      %dma_start3A_971 = arith.constant 0 : i32
      %dma_start3A_972 = tpu.memref_slice %arg6[%dma_start3A_969, %dma_start3A_970, %dma_start3A_971] : memref<10x64x128xf32, #tpu.memory_space<vmem>> -> memref<1x64x128xf32, #tpu.memory_space<vmem>>
      %dma_start3A_973 = tpu.memref_squeeze %dma_start3A_972 : memref<1x64x128xf32, #tpu.memory_space<vmem>> -> memref<64x128xf32, #tpu.memory_space<vmem>>
      %dma_start3A_974 = arith.constant 0 : i32
      %dma_start3A_975 = tpu.memref_slice %arg4[%add3A_968, %dma_start3A_974] : memref<204800x128xf32, #tpu.memory_space<hbm>> -> memref<64x128xf32, #tpu.memory_space<hbm>>
      %dma_start3A_976 = arith.constant 0 : i32
      %dma_start3A_977 = tpu.memref_slice %arg4[%add3A_968, %dma_start3A_976] : memref<204800x128xf32, #tpu.memory_space<hbm>> -> memref<64x128xf32, #tpu.memory_space<hbm>>
      %dma_start3A_978 = arith.constant 0 : i32
      %dma_start3A_979 = arith.constant 0 : i32
      %dma_start3A_980 = tpu.memref_slice %arg6[%dma_start3A_969, %dma_start3A_978, %dma_start3A_979] : memref<10x64x128xf32, #tpu.memory_space<vmem>> -> memref<1x64x128xf32, #tpu.memory_space<vmem>>
      %dma_start3A_981 = tpu.memref_squeeze %dma_start3A_980 : memref<1x64x128xf32, #tpu.memory_space<vmem>> -> memref<64x128xf32, #tpu.memory_space<vmem>>
      tpu.enqueue_dma source(%dma_start3A_981 : memref<64x128xf32, #tpu.memory_space<vmem>>) target(%dma_start3A_977 : memref<64x128xf32, #tpu.memory_space<hbm>>) target_semaphore(%arg21 : memref<!tpu.dma_semaphore, #tpu.memory_space<semaphore_mem>>)
      %mul3A_982 = arith.constant 10 : i32
      %mul3A_983 = arith.muli %scan3A_143, %mul3A_982 : i32
      %add3A_984 = arith.constant 4 : i32
      %add3A_985 = arith.addi %mul3A_983, %add3A_984 : i32
      %dma_wait3A_986 = arith.constant 4 : i32
      %dma_wait3A_987 = arith.constant 0 : i32
      %dma_wait3A_988 = arith.constant 0 : i32
      %dma_wait3A_989 = tpu.memref_slice %arg6[%dma_wait3A_986, %dma_wait3A_987, %dma_wait3A_988] : memref<10x64x128xf32, #tpu.memory_space<vmem>> -> memref<1x64x128xf32, #tpu.memory_space<vmem>>
      %dma_wait3A_990 = tpu.memref_squeeze %dma_wait3A_989 : memref<1x64x128xf32, #tpu.memory_space<vmem>> -> memref<64x128xf32, #tpu.memory_space<vmem>>
      %dma_wait3A_991 = arith.constant 0 : i32
      %dma_wait3A_992 = tpu.memref_slice %arg5[%add3A_429, %dma_wait3A_991] : memref<100x64xi32, #tpu.memory_space<vmem>> -> memref<1x64xi32, #tpu.memory_space<vmem>>
      %dma_wait3A_993 = tpu.memref_squeeze %dma_wait3A_992 : memref<1x64xi32, #tpu.memory_space<vmem>> -> memref<64xi32, #tpu.memory_space<vmem>>
      %dma_wait3A_994 = arith.constant 0 : i32
      %dma_wait3A_995 = arith.constant 0 : i32
      %dma_wait3A_996 = tpu.memref_slice %arg7[%dma_wait3A_994, %dma_wait3A_995] : memref<3650x128xf32, #tpu.memory_space<vmem_shared>> -> memref<3650x128xf32, #tpu.memory_space<vmem_shared>>
      tpu.wait_indirect_dma semaphore(%arg12 : memref<!tpu.dma_semaphore, #tpu.memory_space<semaphore_mem>>) src(%dma_wait3A_996 : memref<3650x128xf32, #tpu.memory_space<vmem_shared>>) dst(%dma_wait3A_990 : memref<64x128xf32, #tpu.memory_space<vmem>>)
      %mul3A_997 = arith.constant 64 : i32
      %mul3A_998 = arith.muli %add3A_985, %mul3A_997 : i32
      %add3A_999 = arith.addi %mul3A_2, %mul3A_998 : i32
      %dma_start3A_1000 = arith.constant 4 : i32
      %dma_start3A_1001 = arith.constant 0 : i32
      %dma_start3A_1002 = arith.constant 0 : i32
      %dma_start3A_1003 = tpu.memref_slice %arg6[%dma_start3A_1000, %dma_start3A_1001, %dma_start3A_1002] : memref<10x64x128xf32, #tpu.memory_space<vmem>> -> memref<1x64x128xf32, #tpu.memory_space<vmem>>
      %dma_start3A_1004 = tpu.memref_squeeze %dma_start3A_1003 : memref<1x64x128xf32, #tpu.memory_space<vmem>> -> memref<64x128xf32, #tpu.memory_space<vmem>>
      %dma_start3A_1005 = arith.constant 0 : i32
      %dma_start3A_1006 = tpu.memref_slice %arg4[%add3A_999, %dma_start3A_1005] : memref<204800x128xf32, #tpu.memory_space<hbm>> -> memref<64x128xf32, #tpu.memory_space<hbm>>
      %dma_start3A_1007 = arith.constant 0 : i32
      %dma_start3A_1008 = tpu.memref_slice %arg4[%add3A_999, %dma_start3A_1007] : memref<204800x128xf32, #tpu.memory_space<hbm>> -> memref<64x128xf32, #tpu.memory_space<hbm>>
      %dma_start3A_1009 = arith.constant 0 : i32
      %dma_start3A_1010 = arith.constant 0 : i32
      %dma_start3A_1011 = tpu.memref_slice %arg6[%dma_start3A_1000, %dma_start3A_1009, %dma_start3A_1010] : memref<10x64x128xf32, #tpu.memory_space<vmem>> -> memref<1x64x128xf32, #tpu.memory_space<vmem>>
      %dma_start3A_1012 = tpu.memref_squeeze %dma_start3A_1011 : memref<1x64x128xf32, #tpu.memory_space<vmem>> -> memref<64x128xf32, #tpu.memory_space<vmem>>
      tpu.enqueue_dma source(%dma_start3A_1012 : memref<64x128xf32, #tpu.memory_space<vmem>>) target(%dma_start3A_1008 : memref<64x128xf32, #tpu.memory_space<hbm>>) target_semaphore(%arg22 : memref<!tpu.dma_semaphore, #tpu.memory_space<semaphore_mem>>)
      %mul3A_1013 = arith.constant 10 : i32
      %mul3A_1014 = arith.muli %scan3A_143, %mul3A_1013 : i32
      %add3A_1015 = arith.constant 5 : i32
      %add3A_1016 = arith.addi %mul3A_1014, %add3A_1015 : i32
      %dma_wait3A_1017 = arith.constant 5 : i32
      %dma_wait3A_1018 = arith.constant 0 : i32
      %dma_wait3A_1019 = arith.constant 0 : i32
      %dma_wait3A_1020 = tpu.memref_slice %arg6[%dma_wait3A_1017, %dma_wait3A_1018, %dma_wait3A_1019] : memref<10x64x128xf32, #tpu.memory_space<vmem>> -> memref<1x64x128xf32, #tpu.memory_space<vmem>>
      %dma_wait3A_1021 = tpu.memref_squeeze %dma_wait3A_1020 : memref<1x64x128xf32, #tpu.memory_space<vmem>> -> memref<64x128xf32, #tpu.memory_space<vmem>>
      %dma_wait3A_1022 = arith.constant 0 : i32
      %dma_wait3A_1023 = tpu.memref_slice %arg5[%add3A_501, %dma_wait3A_1022] : memref<100x64xi32, #tpu.memory_space<vmem>> -> memref<1x64xi32, #tpu.memory_space<vmem>>
      %dma_wait3A_1024 = tpu.memref_squeeze %dma_wait3A_1023 : memref<1x64xi32, #tpu.memory_space<vmem>> -> memref<64xi32, #tpu.memory_space<vmem>>
      %dma_wait3A_1025 = arith.constant 0 : i32
      %dma_wait3A_1026 = arith.constant 0 : i32
      %dma_wait3A_1027 = tpu.memref_slice %arg7[%dma_wait3A_1025, %dma_wait3A_1026] : memref<3650x128xf32, #tpu.memory_space<vmem_shared>> -> memref<3650x128xf32, #tpu.memory_space<vmem_shared>>
      tpu.wait_indirect_dma semaphore(%arg13 : memref<!tpu.dma_semaphore, #tpu.memory_space<semaphore_mem>>) src(%dma_wait3A_1027 : memref<3650x128xf32, #tpu.memory_space<vmem_shared>>) dst(%dma_wait3A_1021 : memref<64x128xf32, #tpu.memory_space<vmem>>)
      %mul3A_1028 = arith.constant 64 : i32
      %mul3A_1029 = arith.muli %add3A_1016, %mul3A_1028 : i32
      %add3A_1030 = arith.addi %mul3A_2, %mul3A_1029 : i32
      %dma_start3A_1031 = arith.constant 5 : i32
      %dma_start3A_1032 = arith.constant 0 : i32
      %dma_start3A_1033 = arith.constant 0 : i32
      %dma_start3A_1034 = tpu.memref_slice %arg6[%dma_start3A_1031, %dma_start3A_1032, %dma_start3A_1033] : memref<10x64x128xf32, #tpu.memory_space<vmem>> -> memref<1x64x128xf32, #tpu.memory_space<vmem>>
      %dma_start3A_1035 = tpu.memref_squeeze %dma_start3A_1034 : memref<1x64x128xf32, #tpu.memory_space<vmem>> -> memref<64x128xf32, #tpu.memory_space<vmem>>
      %dma_start3A_1036 = arith.constant 0 : i32
      %dma_start3A_1037 = tpu.memref_slice %arg4[%add3A_1030, %dma_start3A_1036] : memref<204800x128xf32, #tpu.memory_space<hbm>> -> memref<64x128xf32, #tpu.memory_space<hbm>>
      %dma_start3A_1038 = arith.constant 0 : i32
      %dma_start3A_1039 = tpu.memref_slice %arg4[%add3A_1030, %dma_start3A_1038] : memref<204800x128xf32, #tpu.memory_space<hbm>> -> memref<64x128xf32, #tpu.memory_space<hbm>>
      %dma_start3A_1040 = arith.constant 0 : i32
      %dma_start3A_1041 = arith.constant 0 : i32
      %dma_start3A_1042 = tpu.memref_slice %arg6[%dma_start3A_1031, %dma_start3A_1040, %dma_start3A_1041] : memref<10x64x128xf32, #tpu.memory_space<vmem>> -> memref<1x64x128xf32, #tpu.memory_space<vmem>>
      %dma_start3A_1043 = tpu.memref_squeeze %dma_start3A_1042 : memref<1x64x128xf32, #tpu.memory_space<vmem>> -> memref<64x128xf32, #tpu.memory_space<vmem>>
      tpu.enqueue_dma source(%dma_start3A_1043 : memref<64x128xf32, #tpu.memory_space<vmem>>) target(%dma_start3A_1039 : memref<64x128xf32, #tpu.memory_space<hbm>>) target_semaphore(%arg23 : memref<!tpu.dma_semaphore, #tpu.memory_space<semaphore_mem>>)
      %mul3A_1044 = arith.constant 10 : i32
      %mul3A_1045 = arith.muli %scan3A_143, %mul3A_1044 : i32
      %add3A_1046 = arith.constant 6 : i32
      %add3A_1047 = arith.addi %mul3A_1045, %add3A_1046 : i32
      %dma_wait3A_1048 = arith.constant 6 : i32
      %dma_wait3A_1049 = arith.constant 0 : i32
      %dma_wait3A_1050 = arith.constant 0 : i32
      %dma_wait3A_1051 = tpu.memref_slice %arg6[%dma_wait3A_1048, %dma_wait3A_1049, %dma_wait3A_1050] : memref<10x64x128xf32, #tpu.memory_space<vmem>> -> memref<1x64x128xf32, #tpu.memory_space<vmem>>
      %dma_wait3A_1052 = tpu.memref_squeeze %dma_wait3A_1051 : memref<1x64x128xf32, #tpu.memory_space<vmem>> -> memref<64x128xf32, #tpu.memory_space<vmem>>
      %dma_wait3A_1053 = arith.constant 0 : i32
      %dma_wait3A_1054 = tpu.memref_slice %arg5[%add3A_573, %dma_wait3A_1053] : memref<100x64xi32, #tpu.memory_space<vmem>> -> memref<1x64xi32, #tpu.memory_space<vmem>>
      %dma_wait3A_1055 = tpu.memref_squeeze %dma_wait3A_1054 : memref<1x64xi32, #tpu.memory_space<vmem>> -> memref<64xi32, #tpu.memory_space<vmem>>
      %dma_wait3A_1056 = arith.constant 0 : i32
      %dma_wait3A_1057 = arith.constant 0 : i32
      %dma_wait3A_1058 = tpu.memref_slice %arg7[%dma_wait3A_1056, %dma_wait3A_1057] : memref<3650x128xf32, #tpu.memory_space<vmem_shared>> -> memref<3650x128xf32, #tpu.memory_space<vmem_shared>>
      tpu.wait_indirect_dma semaphore(%arg14 : memref<!tpu.dma_semaphore, #tpu.memory_space<semaphore_mem>>) src(%dma_wait3A_1058 : memref<3650x128xf32, #tpu.memory_space<vmem_shared>>) dst(%dma_wait3A_1052 : memref<64x128xf32, #tpu.memory_space<vmem>>)
      %mul3A_1059 = arith.constant 64 : i32
      %mul3A_1060 = arith.muli %add3A_1047, %mul3A_1059 : i32
      %add3A_1061 = arith.addi %mul3A_2, %mul3A_1060 : i32
      %dma_start3A_1062 = arith.constant 6 : i32
      %dma_start3A_1063 = arith.constant 0 : i32
      %dma_start3A_1064 = arith.constant 0 : i32
      %dma_start3A_1065 = tpu.memref_slice %arg6[%dma_start3A_1062, %dma_start3A_1063, %dma_start3A_1064] : memref<10x64x128xf32, #tpu.memory_space<vmem>> -> memref<1x64x128xf32, #tpu.memory_space<vmem>>
      %dma_start3A_1066 = tpu.memref_squeeze %dma_start3A_1065 : memref<1x64x128xf32, #tpu.memory_space<vmem>> -> memref<64x128xf32, #tpu.memory_space<vmem>>
      %dma_start3A_1067 = arith.constant 0 : i32
      %dma_start3A_1068 = tpu.memref_slice %arg4[%add3A_1061, %dma_start3A_1067] : memref<204800x128xf32, #tpu.memory_space<hbm>> -> memref<64x128xf32, #tpu.memory_space<hbm>>
      %dma_start3A_1069 = arith.constant 0 : i32
      %dma_start3A_1070 = tpu.memref_slice %arg4[%add3A_1061, %dma_start3A_1069] : memref<204800x128xf32, #tpu.memory_space<hbm>> -> memref<64x128xf32, #tpu.memory_space<hbm>>
      %dma_start3A_1071 = arith.constant 0 : i32
      %dma_start3A_1072 = arith.constant 0 : i32
      %dma_start3A_1073 = tpu.memref_slice %arg6[%dma_start3A_1062, %dma_start3A_1071, %dma_start3A_1072] : memref<10x64x128xf32, #tpu.memory_space<vmem>> -> memref<1x64x128xf32, #tpu.memory_space<vmem>>
      %dma_start3A_1074 = tpu.memref_squeeze %dma_start3A_1073 : memref<1x64x128xf32, #tpu.memory_space<vmem>> -> memref<64x128xf32, #tpu.memory_space<vmem>>
      tpu.enqueue_dma source(%dma_start3A_1074 : memref<64x128xf32, #tpu.memory_space<vmem>>) target(%dma_start3A_1070 : memref<64x128xf32, #tpu.memory_space<hbm>>) target_semaphore(%arg24 : memref<!tpu.dma_semaphore, #tpu.memory_space<semaphore_mem>>)
      %mul3A_1075 = arith.constant 10 : i32
      %mul3A_1076 = arith.muli %scan3A_143, %mul3A_1075 : i32
      %add3A_1077 = arith.constant 7 : i32
      %add3A_1078 = arith.addi %mul3A_1076, %add3A_1077 : i32
      %dma_wait3A_1079 = arith.constant 7 : i32
      %dma_wait3A_1080 = arith.constant 0 : i32
      %dma_wait3A_1081 = arith.constant 0 : i32
      %dma_wait3A_1082 = tpu.memref_slice %arg6[%dma_wait3A_1079, %dma_wait3A_1080, %dma_wait3A_1081] : memref<10x64x128xf32, #tpu.memory_space<vmem>> -> memref<1x64x128xf32, #tpu.memory_space<vmem>>
      %dma_wait3A_1083 = tpu.memref_squeeze %dma_wait3A_1082 : memref<1x64x128xf32, #tpu.memory_space<vmem>> -> memref<64x128xf32, #tpu.memory_space<vmem>>
      %dma_wait3A_1084 = arith.constant 0 : i32
      %dma_wait3A_1085 = tpu.memref_slice %arg5[%add3A_645, %dma_wait3A_1084] : memref<100x64xi32, #tpu.memory_space<vmem>> -> memref<1x64xi32, #tpu.memory_space<vmem>>
      %dma_wait3A_1086 = tpu.memref_squeeze %dma_wait3A_1085 : memref<1x64xi32, #tpu.memory_space<vmem>> -> memref<64xi32, #tpu.memory_space<vmem>>
      %dma_wait3A_1087 = arith.constant 0 : i32
      %dma_wait3A_1088 = arith.constant 0 : i32
      %dma_wait3A_1089 = tpu.memref_slice %arg7[%dma_wait3A_1087, %dma_wait3A_1088] : memref<3650x128xf32, #tpu.memory_space<vmem_shared>> -> memref<3650x128xf32, #tpu.memory_space<vmem_shared>>
      tpu.wait_indirect_dma semaphore(%arg15 : memref<!tpu.dma_semaphore, #tpu.memory_space<semaphore_mem>>) src(%dma_wait3A_1089 : memref<3650x128xf32, #tpu.memory_space<vmem_shared>>) dst(%dma_wait3A_1083 : memref<64x128xf32, #tpu.memory_space<vmem>>)
      %mul3A_1090 = arith.constant 64 : i32
      %mul3A_1091 = arith.muli %add3A_1078, %mul3A_1090 : i32
      %add3A_1092 = arith.addi %mul3A_2, %mul3A_1091 : i32
      %dma_start3A_1093 = arith.constant 7 : i32
      %dma_start3A_1094 = arith.constant 0 : i32
      %dma_start3A_1095 = arith.constant 0 : i32
      %dma_start3A_1096 = tpu.memref_slice %arg6[%dma_start3A_1093, %dma_start3A_1094, %dma_start3A_1095] : memref<10x64x128xf32, #tpu.memory_space<vmem>> -> memref<1x64x128xf32, #tpu.memory_space<vmem>>
      %dma_start3A_1097 = tpu.memref_squeeze %dma_start3A_1096 : memref<1x64x128xf32, #tpu.memory_space<vmem>> -> memref<64x128xf32, #tpu.memory_space<vmem>>
      %dma_start3A_1098 = arith.constant 0 : i32
      %dma_start3A_1099 = tpu.memref_slice %arg4[%add3A_1092, %dma_start3A_1098] : memref<204800x128xf32, #tpu.memory_space<hbm>> -> memref<64x128xf32, #tpu.memory_space<hbm>>
      %dma_start3A_1100 = arith.constant 0 : i32
      %dma_start3A_1101 = tpu.memref_slice %arg4[%add3A_1092, %dma_start3A_1100] : memref<204800x128xf32, #tpu.memory_space<hbm>> -> memref<64x128xf32, #tpu.memory_space<hbm>>
      %dma_start3A_1102 = arith.constant 0 : i32
      %dma_start3A_1103 = arith.constant 0 : i32
      %dma_start3A_1104 = tpu.memref_slice %arg6[%dma_start3A_1093, %dma_start3A_1102, %dma_start3A_1103] : memref<10x64x128xf32, #tpu.memory_space<vmem>> -> memref<1x64x128xf32, #tpu.memory_space<vmem>>
      %dma_start3A_1105 = tpu.memref_squeeze %dma_start3A_1104 : memref<1x64x128xf32, #tpu.memory_space<vmem>> -> memref<64x128xf32, #tpu.memory_space<vmem>>
      tpu.enqueue_dma source(%dma_start3A_1105 : memref<64x128xf32, #tpu.memory_space<vmem>>) target(%dma_start3A_1101 : memref<64x128xf32, #tpu.memory_space<hbm>>) target_semaphore(%arg25 : memref<!tpu.dma_semaphore, #tpu.memory_space<semaphore_mem>>)
      %mul3A_1106 = arith.constant 10 : i32
      %mul3A_1107 = arith.muli %scan3A_143, %mul3A_1106 : i32
      %add3A_1108 = arith.constant 8 : i32
      %add3A_1109 = arith.addi %mul3A_1107, %add3A_1108 : i32
      %dma_wait3A_1110 = arith.constant 8 : i32
      %dma_wait3A_1111 = arith.constant 0 : i32
      %dma_wait3A_1112 = arith.constant 0 : i32
      %dma_wait3A_1113 = tpu.memref_slice %arg6[%dma_wait3A_1110, %dma_wait3A_1111, %dma_wait3A_1112] : memref<10x64x128xf32, #tpu.memory_space<vmem>> -> memref<1x64x128xf32, #tpu.memory_space<vmem>>
      %dma_wait3A_1114 = tpu.memref_squeeze %dma_wait3A_1113 : memref<1x64x128xf32, #tpu.memory_space<vmem>> -> memref<64x128xf32, #tpu.memory_space<vmem>>
      %dma_wait3A_1115 = arith.constant 0 : i32
      %dma_wait3A_1116 = tpu.memref_slice %arg5[%add3A_717, %dma_wait3A_1115] : memref<100x64xi32, #tpu.memory_space<vmem>> -> memref<1x64xi32, #tpu.memory_space<vmem>>
      %dma_wait3A_1117 = tpu.memref_squeeze %dma_wait3A_1116 : memref<1x64xi32, #tpu.memory_space<vmem>> -> memref<64xi32, #tpu.memory_space<vmem>>
      %dma_wait3A_1118 = arith.constant 0 : i32
      %dma_wait3A_1119 = arith.constant 0 : i32
      %dma_wait3A_1120 = tpu.memref_slice %arg7[%dma_wait3A_1118, %dma_wait3A_1119] : memref<3650x128xf32, #tpu.memory_space<vmem_shared>> -> memref<3650x128xf32, #tpu.memory_space<vmem_shared>>
      tpu.wait_indirect_dma semaphore(%arg16 : memref<!tpu.dma_semaphore, #tpu.memory_space<semaphore_mem>>) src(%dma_wait3A_1120 : memref<3650x128xf32, #tpu.memory_space<vmem_shared>>) dst(%dma_wait3A_1114 : memref<64x128xf32, #tpu.memory_space<vmem>>)
      %mul3A_1121 = arith.constant 64 : i32
      %mul3A_1122 = arith.muli %add3A_1109, %mul3A_1121 : i32
      %add3A_1123 = arith.addi %mul3A_2, %mul3A_1122 : i32
      %dma_start3A_1124 = arith.constant 8 : i32
      %dma_start3A_1125 = arith.constant 0 : i32
      %dma_start3A_1126 = arith.constant 0 : i32
      %dma_start3A_1127 = tpu.memref_slice %arg6[%dma_start3A_1124, %dma_start3A_1125, %dma_start3A_1126] : memref<10x64x128xf32, #tpu.memory_space<vmem>> -> memref<1x64x128xf32, #tpu.memory_space<vmem>>
      %dma_start3A_1128 = tpu.memref_squeeze %dma_start3A_1127 : memref<1x64x128xf32, #tpu.memory_space<vmem>> -> memref<64x128xf32, #tpu.memory_space<vmem>>
      %dma_start3A_1129 = arith.constant 0 : i32
      %dma_start3A_1130 = tpu.memref_slice %arg4[%add3A_1123, %dma_start3A_1129] : memref<204800x128xf32, #tpu.memory_space<hbm>> -> memref<64x128xf32, #tpu.memory_space<hbm>>
      %dma_start3A_1131 = arith.constant 0 : i32
      %dma_start3A_1132 = tpu.memref_slice %arg4[%add3A_1123, %dma_start3A_1131] : memref<204800x128xf32, #tpu.memory_space<hbm>> -> memref<64x128xf32, #tpu.memory_space<hbm>>
      %dma_start3A_1133 = arith.constant 0 : i32
      %dma_start3A_1134 = arith.constant 0 : i32
      %dma_start3A_1135 = tpu.memref_slice %arg6[%dma_start3A_1124, %dma_start3A_1133, %dma_start3A_1134] : memref<10x64x128xf32, #tpu.memory_space<vmem>> -> memref<1x64x128xf32, #tpu.memory_space<vmem>>
      %dma_start3A_1136 = tpu.memref_squeeze %dma_start3A_1135 : memref<1x64x128xf32, #tpu.memory_space<vmem>> -> memref<64x128xf32, #tpu.memory_space<vmem>>
      tpu.enqueue_dma source(%dma_start3A_1136 : memref<64x128xf32, #tpu.memory_space<vmem>>) target(%dma_start3A_1132 : memref<64x128xf32, #tpu.memory_space<hbm>>) target_semaphore(%arg26 : memref<!tpu.dma_semaphore, #tpu.memory_space<semaphore_mem>>)
      %mul3A_1137 = arith.constant 10 : i32
      %mul3A_1138 = arith.muli %scan3A_143, %mul3A_1137 : i32
      %add3A_1139 = arith.constant 9 : i32
      %add3A_1140 = arith.addi %mul3A_1138, %add3A_1139 : i32
      %dma_wait3A_1141 = arith.constant 9 : i32
      %dma_wait3A_1142 = arith.constant 0 : i32
      %dma_wait3A_1143 = arith.constant 0 : i32
      %dma_wait3A_1144 = tpu.memref_slice %arg6[%dma_wait3A_1141, %dma_wait3A_1142, %dma_wait3A_1143] : memref<10x64x128xf32, #tpu.memory_space<vmem>> -> memref<1x64x128xf32, #tpu.memory_space<vmem>>
      %dma_wait3A_1145 = tpu.memref_squeeze %dma_wait3A_1144 : memref<1x64x128xf32, #tpu.memory_space<vmem>> -> memref<64x128xf32, #tpu.memory_space<vmem>>
      %dma_wait3A_1146 = arith.constant 0 : i32
      %dma_wait3A_1147 = tpu.memref_slice %arg5[%add3A_789, %dma_wait3A_1146] : memref<100x64xi32, #tpu.memory_space<vmem>> -> memref<1x64xi32, #tpu.memory_space<vmem>>
      %dma_wait3A_1148 = tpu.memref_squeeze %dma_wait3A_1147 : memref<1x64xi32, #tpu.memory_space<vmem>> -> memref<64xi32, #tpu.memory_space<vmem>>
      %dma_wait3A_1149 = arith.constant 0 : i32
      %dma_wait3A_1150 = arith.constant 0 : i32
      %dma_wait3A_1151 = tpu.memref_slice %arg7[%dma_wait3A_1149, %dma_wait3A_1150] : memref<3650x128xf32, #tpu.memory_space<vmem_shared>> -> memref<3650x128xf32, #tpu.memory_space<vmem_shared>>
      tpu.wait_indirect_dma semaphore(%arg17 : memref<!tpu.dma_semaphore, #tpu.memory_space<semaphore_mem>>) src(%dma_wait3A_1151 : memref<3650x128xf32, #tpu.memory_space<vmem_shared>>) dst(%dma_wait3A_1145 : memref<64x128xf32, #tpu.memory_space<vmem>>)
      %mul3A_1152 = arith.constant 64 : i32
      %mul3A_1153 = arith.muli %add3A_1140, %mul3A_1152 : i32
      %add3A_1154 = arith.addi %mul3A_2, %mul3A_1153 : i32
      %dma_start3A_1155 = arith.constant 9 : i32
      %dma_start3A_1156 = arith.constant 0 : i32
      %dma_start3A_1157 = arith.constant 0 : i32
      %dma_start3A_1158 = tpu.memref_slice %arg6[%dma_start3A_1155, %dma_start3A_1156, %dma_start3A_1157] : memref<10x64x128xf32, #tpu.memory_space<vmem>> -> memref<1x64x128xf32, #tpu.memory_space<vmem>>
      %dma_start3A_1159 = tpu.memref_squeeze %dma_start3A_1158 : memref<1x64x128xf32, #tpu.memory_space<vmem>> -> memref<64x128xf32, #tpu.memory_space<vmem>>
      %dma_start3A_1160 = arith.constant 0 : i32
      %dma_start3A_1161 = tpu.memref_slice %arg4[%add3A_1154, %dma_start3A_1160] : memref<204800x128xf32, #tpu.memory_space<hbm>> -> memref<64x128xf32, #tpu.memory_space<hbm>>
      %dma_start3A_1162 = arith.constant 0 : i32
      %dma_start3A_1163 = tpu.memref_slice %arg4[%add3A_1154, %dma_start3A_1162] : memref<204800x128xf32, #tpu.memory_space<hbm>> -> memref<64x128xf32, #tpu.memory_space<hbm>>
      %dma_start3A_1164 = arith.constant 0 : i32
      %dma_start3A_1165 = arith.constant 0 : i32
      %dma_start3A_1166 = tpu.memref_slice %arg6[%dma_start3A_1155, %dma_start3A_1164, %dma_start3A_1165] : memref<10x64x128xf32, #tpu.memory_space<vmem>> -> memref<1x64x128xf32, #tpu.memory_space<vmem>>
      %dma_start3A_1167 = tpu.memref_squeeze %dma_start3A_1166 : memref<1x64x128xf32, #tpu.memory_space<vmem>> -> memref<64x128xf32, #tpu.memory_space<vmem>>
      tpu.enqueue_dma source(%dma_start3A_1167 : memref<64x128xf32, #tpu.memory_space<vmem>>) target(%dma_start3A_1163 : memref<64x128xf32, #tpu.memory_space<hbm>>) target_semaphore(%arg27 : memref<!tpu.dma_semaphore, #tpu.memory_space<semaphore_mem>>)
    }
    %scan3A_13 = arith.constant 10 : i32
    %dma_wait3A = arith.constant 0 : i32
    %dma_wait3A_14 = arith.constant 0 : i32
    %dma_wait3A_15 = arith.constant 0 : i32
    %dma_wait3A_16 = tpu.memref_slice %arg6[%dma_wait3A, %dma_wait3A_14, %dma_wait3A_15] : memref<10x64x128xf32, #tpu.memory_space<vmem>> -> memref<1x64x128xf32, #tpu.memory_space<vmem>>
    %dma_wait3A_17 = tpu.memref_squeeze %dma_wait3A_16 : memref<1x64x128xf32, #tpu.memory_space<vmem>> -> memref<64x128xf32, #tpu.memory_space<vmem>>
    %dma_wait3A_18 = arith.constant 0 : i32
    %dma_wait3A_19 = tpu.memref_slice %arg4[%mul3A_2, %dma_wait3A_18] : memref<204800x128xf32, #tpu.memory_space<hbm>> -> memref<64x128xf32, #tpu.memory_space<hbm>>
    %dma_wait3A_20 = arith.constant 0 : i32
    %dma_wait3A_21 = tpu.memref_slice %arg4[%mul3A_2, %dma_wait3A_20] : memref<204800x128xf32, #tpu.memory_space<hbm>> -> memref<64x128xf32, #tpu.memory_space<hbm>>
    %dma_wait3A_22 = arith.constant 0 : i32
    %dma_wait3A_23 = arith.constant 0 : i32
    %dma_wait3A_24 = tpu.memref_slice %arg6[%dma_wait3A, %dma_wait3A_22, %dma_wait3A_23] : memref<10x64x128xf32, #tpu.memory_space<vmem>> -> memref<1x64x128xf32, #tpu.memory_space<vmem>>
    %dma_wait3A_25 = tpu.memref_squeeze %dma_wait3A_24 : memref<1x64x128xf32, #tpu.memory_space<vmem>> -> memref<64x128xf32, #tpu.memory_space<vmem>>
    tpu.wait_dma2 semaphore(%arg18 : memref<!tpu.dma_semaphore, #tpu.memory_space<semaphore_mem>>) src(%dma_wait3A_25 : memref<64x128xf32, #tpu.memory_space<vmem>>) dst(%dma_wait3A_21 : memref<64x128xf32, #tpu.memory_space<hbm>>)
    %dma_wait3A_26 = arith.constant 1 : i32
    %dma_wait3A_27 = arith.constant 0 : i32
    %dma_wait3A_28 = arith.constant 0 : i32
    %dma_wait3A_29 = tpu.memref_slice %arg6[%dma_wait3A_26, %dma_wait3A_27, %dma_wait3A_28] : memref<10x64x128xf32, #tpu.memory_space<vmem>> -> memref<1x64x128xf32, #tpu.memory_space<vmem>>
    %dma_wait3A_30 = tpu.memref_squeeze %dma_wait3A_29 : memref<1x64x128xf32, #tpu.memory_space<vmem>> -> memref<64x128xf32, #tpu.memory_space<vmem>>
    %dma_wait3A_31 = arith.constant 0 : i32
    %dma_wait3A_32 = tpu.memref_slice %arg4[%mul3A_2, %dma_wait3A_31] : memref<204800x128xf32, #tpu.memory_space<hbm>> -> memref<64x128xf32, #tpu.memory_space<hbm>>
    %dma_wait3A_33 = arith.constant 0 : i32
    %dma_wait3A_34 = tpu.memref_slice %arg4[%mul3A_2, %dma_wait3A_33] : memref<204800x128xf32, #tpu.memory_space<hbm>> -> memref<64x128xf32, #tpu.memory_space<hbm>>
    %dma_wait3A_35 = arith.constant 0 : i32
    %dma_wait3A_36 = arith.constant 0 : i32
    %dma_wait3A_37 = tpu.memref_slice %arg6[%dma_wait3A_26, %dma_wait3A_35, %dma_wait3A_36] : memref<10x64x128xf32, #tpu.memory_space<vmem>> -> memref<1x64x128xf32, #tpu.memory_space<vmem>>
    %dma_wait3A_38 = tpu.memref_squeeze %dma_wait3A_37 : memref<1x64x128xf32, #tpu.memory_space<vmem>> -> memref<64x128xf32, #tpu.memory_space<vmem>>
    tpu.wait_dma2 semaphore(%arg19 : memref<!tpu.dma_semaphore, #tpu.memory_space<semaphore_mem>>) src(%dma_wait3A_38 : memref<64x128xf32, #tpu.memory_space<vmem>>) dst(%dma_wait3A_34 : memref<64x128xf32, #tpu.memory_space<hbm>>)
    %dma_wait3A_39 = arith.constant 2 : i32
    %dma_wait3A_40 = arith.constant 0 : i32
    %dma_wait3A_41 = arith.constant 0 : i32
    %dma_wait3A_42 = tpu.memref_slice %arg6[%dma_wait3A_39, %dma_wait3A_40, %dma_wait3A_41] : memref<10x64x128xf32, #tpu.memory_space<vmem>> -> memref<1x64x128xf32, #tpu.memory_space<vmem>>
    %dma_wait3A_43 = tpu.memref_squeeze %dma_wait3A_42 : memref<1x64x128xf32, #tpu.memory_space<vmem>> -> memref<64x128xf32, #tpu.memory_space<vmem>>
    %dma_wait3A_44 = arith.constant 0 : i32
    %dma_wait3A_45 = tpu.memref_slice %arg4[%mul3A_2, %dma_wait3A_44] : memref<204800x128xf32, #tpu.memory_space<hbm>> -> memref<64x128xf32, #tpu.memory_space<hbm>>
    %dma_wait3A_46 = arith.constant 0 : i32
    %dma_wait3A_47 = tpu.memref_slice %arg4[%mul3A_2, %dma_wait3A_46] : memref<204800x128xf32, #tpu.memory_space<hbm>> -> memref<64x128xf32, #tpu.memory_space<hbm>>
    %dma_wait3A_48 = arith.constant 0 : i32
    %dma_wait3A_49 = arith.constant 0 : i32
    %dma_wait3A_50 = tpu.memref_slice %arg6[%dma_wait3A_39, %dma_wait3A_48, %dma_wait3A_49] : memref<10x64x128xf32, #tpu.memory_space<vmem>> -> memref<1x64x128xf32, #tpu.memory_space<vmem>>
    %dma_wait3A_51 = tpu.memref_squeeze %dma_wait3A_50 : memref<1x64x128xf32, #tpu.memory_space<vmem>> -> memref<64x128xf32, #tpu.memory_space<vmem>>
    tpu.wait_dma2 semaphore(%arg20 : memref<!tpu.dma_semaphore, #tpu.memory_space<semaphore_mem>>) src(%dma_wait3A_51 : memref<64x128xf32, #tpu.memory_space<vmem>>) dst(%dma_wait3A_47 : memref<64x128xf32, #tpu.memory_space<hbm>>)
    %dma_wait3A_52 = arith.constant 3 : i32
    %dma_wait3A_53 = arith.constant 0 : i32
    %dma_wait3A_54 = arith.constant 0 : i32
    %dma_wait3A_55 = tpu.memref_slice %arg6[%dma_wait3A_52, %dma_wait3A_53, %dma_wait3A_54] : memref<10x64x128xf32, #tpu.memory_space<vmem>> -> memref<1x64x128xf32, #tpu.memory_space<vmem>>
    %dma_wait3A_56 = tpu.memref_squeeze %dma_wait3A_55 : memref<1x64x128xf32, #tpu.memory_space<vmem>> -> memref<64x128xf32, #tpu.memory_space<vmem>>
    %dma_wait3A_57 = arith.constant 0 : i32
    %dma_wait3A_58 = tpu.memref_slice %arg4[%mul3A_2, %dma_wait3A_57] : memref<204800x128xf32, #tpu.memory_space<hbm>> -> memref<64x128xf32, #tpu.memory_space<hbm>>
    %dma_wait3A_59 = arith.constant 0 : i32
    %dma_wait3A_60 = tpu.memref_slice %arg4[%mul3A_2, %dma_wait3A_59] : memref<204800x128xf32, #tpu.memory_space<hbm>> -> memref<64x128xf32, #tpu.memory_space<hbm>>
    %dma_wait3A_61 = arith.constant 0 : i32
    %dma_wait3A_62 = arith.constant 0 : i32
    %dma_wait3A_63 = tpu.memref_slice %arg6[%dma_wait3A_52, %dma_wait3A_61, %dma_wait3A_62] : memref<10x64x128xf32, #tpu.memory_space<vmem>> -> memref<1x64x128xf32, #tpu.memory_space<vmem>>
    %dma_wait3A_64 = tpu.memref_squeeze %dma_wait3A_63 : memref<1x64x128xf32, #tpu.memory_space<vmem>> -> memref<64x128xf32, #tpu.memory_space<vmem>>
    tpu.wait_dma2 semaphore(%arg21 : memref<!tpu.dma_semaphore, #tpu.memory_space<semaphore_mem>>) src(%dma_wait3A_64 : memref<64x128xf32, #tpu.memory_space<vmem>>) dst(%dma_wait3A_60 : memref<64x128xf32, #tpu.memory_space<hbm>>)
    %dma_wait3A_65 = arith.constant 4 : i32
    %dma_wait3A_66 = arith.constant 0 : i32
    %dma_wait3A_67 = arith.constant 0 : i32
    %dma_wait3A_68 = tpu.memref_slice %arg6[%dma_wait3A_65, %dma_wait3A_66, %dma_wait3A_67] : memref<10x64x128xf32, #tpu.memory_space<vmem>> -> memref<1x64x128xf32, #tpu.memory_space<vmem>>
    %dma_wait3A_69 = tpu.memref_squeeze %dma_wait3A_68 : memref<1x64x128xf32, #tpu.memory_space<vmem>> -> memref<64x128xf32, #tpu.memory_space<vmem>>
    %dma_wait3A_70 = arith.constant 0 : i32
    %dma_wait3A_71 = tpu.memref_slice %arg4[%mul3A_2, %dma_wait3A_70] : memref<204800x128xf32, #tpu.memory_space<hbm>> -> memref<64x128xf32, #tpu.memory_space<hbm>>
    %dma_wait3A_72 = arith.constant 0 : i32
    %dma_wait3A_73 = tpu.memref_slice %arg4[%mul3A_2, %dma_wait3A_72] : memref<204800x128xf32, #tpu.memory_space<hbm>> -> memref<64x128xf32, #tpu.memory_space<hbm>>
    %dma_wait3A_74 = arith.constant 0 : i32
    %dma_wait3A_75 = arith.constant 0 : i32
    %dma_wait3A_76 = tpu.memref_slice %arg6[%dma_wait3A_65, %dma_wait3A_74, %dma_wait3A_75] : memref<10x64x128xf32, #tpu.memory_space<vmem>> -> memref<1x64x128xf32, #tpu.memory_space<vmem>>
    %dma_wait3A_77 = tpu.memref_squeeze %dma_wait3A_76 : memref<1x64x128xf32, #tpu.memory_space<vmem>> -> memref<64x128xf32, #tpu.memory_space<vmem>>
    tpu.wait_dma2 semaphore(%arg22 : memref<!tpu.dma_semaphore, #tpu.memory_space<semaphore_mem>>) src(%dma_wait3A_77 : memref<64x128xf32, #tpu.memory_space<vmem>>) dst(%dma_wait3A_73 : memref<64x128xf32, #tpu.memory_space<hbm>>)
    %dma_wait3A_78 = arith.constant 5 : i32
    %dma_wait3A_79 = arith.constant 0 : i32
    %dma_wait3A_80 = arith.constant 0 : i32
    %dma_wait3A_81 = tpu.memref_slice %arg6[%dma_wait3A_78, %dma_wait3A_79, %dma_wait3A_80] : memref<10x64x128xf32, #tpu.memory_space<vmem>> -> memref<1x64x128xf32, #tpu.memory_space<vmem>>
    %dma_wait3A_82 = tpu.memref_squeeze %dma_wait3A_81 : memref<1x64x128xf32, #tpu.memory_space<vmem>> -> memref<64x128xf32, #tpu.memory_space<vmem>>
    %dma_wait3A_83 = arith.constant 0 : i32
    %dma_wait3A_84 = tpu.memref_slice %arg4[%mul3A_2, %dma_wait3A_83] : memref<204800x128xf32, #tpu.memory_space<hbm>> -> memref<64x128xf32, #tpu.memory_space<hbm>>
    %dma_wait3A_85 = arith.constant 0 : i32
    %dma_wait3A_86 = tpu.memref_slice %arg4[%mul3A_2, %dma_wait3A_85] : memref<204800x128xf32, #tpu.memory_space<hbm>> -> memref<64x128xf32, #tpu.memory_space<hbm>>
    %dma_wait3A_87 = arith.constant 0 : i32
    %dma_wait3A_88 = arith.constant 0 : i32
    %dma_wait3A_89 = tpu.memref_slice %arg6[%dma_wait3A_78, %dma_wait3A_87, %dma_wait3A_88] : memref<10x64x128xf32, #tpu.memory_space<vmem>> -> memref<1x64x128xf32, #tpu.memory_space<vmem>>
    %dma_wait3A_90 = tpu.memref_squeeze %dma_wait3A_89 : memref<1x64x128xf32, #tpu.memory_space<vmem>> -> memref<64x128xf32, #tpu.memory_space<vmem>>
    tpu.wait_dma2 semaphore(%arg23 : memref<!tpu.dma_semaphore, #tpu.memory_space<semaphore_mem>>) src(%dma_wait3A_90 : memref<64x128xf32, #tpu.memory_space<vmem>>) dst(%dma_wait3A_86 : memref<64x128xf32, #tpu.memory_space<hbm>>)
    %dma_wait3A_91 = arith.constant 6 : i32
    %dma_wait3A_92 = arith.constant 0 : i32
    %dma_wait3A_93 = arith.constant 0 : i32
    %dma_wait3A_94 = tpu.memref_slice %arg6[%dma_wait3A_91, %dma_wait3A_92, %dma_wait3A_93] : memref<10x64x128xf32, #tpu.memory_space<vmem>> -> memref<1x64x128xf32, #tpu.memory_space<vmem>>
    %dma_wait3A_95 = tpu.memref_squeeze %dma_wait3A_94 : memref<1x64x128xf32, #tpu.memory_space<vmem>> -> memref<64x128xf32, #tpu.memory_space<vmem>>
    %dma_wait3A_96 = arith.constant 0 : i32
    %dma_wait3A_97 = tpu.memref_slice %arg4[%mul3A_2, %dma_wait3A_96] : memref<204800x128xf32, #tpu.memory_space<hbm>> -> memref<64x128xf32, #tpu.memory_space<hbm>>
    %dma_wait3A_98 = arith.constant 0 : i32
    %dma_wait3A_99 = tpu.memref_slice %arg4[%mul3A_2, %dma_wait3A_98] : memref<204800x128xf32, #tpu.memory_space<hbm>> -> memref<64x128xf32, #tpu.memory_space<hbm>>
    %dma_wait3A_100 = arith.constant 0 : i32
    %dma_wait3A_101 = arith.constant 0 : i32
    %dma_wait3A_102 = tpu.memref_slice %arg6[%dma_wait3A_91, %dma_wait3A_100, %dma_wait3A_101] : memref<10x64x128xf32, #tpu.memory_space<vmem>> -> memref<1x64x128xf32, #tpu.memory_space<vmem>>
    %dma_wait3A_103 = tpu.memref_squeeze %dma_wait3A_102 : memref<1x64x128xf32, #tpu.memory_space<vmem>> -> memref<64x128xf32, #tpu.memory_space<vmem>>
    tpu.wait_dma2 semaphore(%arg24 : memref<!tpu.dma_semaphore, #tpu.memory_space<semaphore_mem>>) src(%dma_wait3A_103 : memref<64x128xf32, #tpu.memory_space<vmem>>) dst(%dma_wait3A_99 : memref<64x128xf32, #tpu.memory_space<hbm>>)
    %dma_wait3A_104 = arith.constant 7 : i32
    %dma_wait3A_105 = arith.constant 0 : i32
    %dma_wait3A_106 = arith.constant 0 : i32
    %dma_wait3A_107 = tpu.memref_slice %arg6[%dma_wait3A_104, %dma_wait3A_105, %dma_wait3A_106] : memref<10x64x128xf32, #tpu.memory_space<vmem>> -> memref<1x64x128xf32, #tpu.memory_space<vmem>>
    %dma_wait3A_108 = tpu.memref_squeeze %dma_wait3A_107 : memref<1x64x128xf32, #tpu.memory_space<vmem>> -> memref<64x128xf32, #tpu.memory_space<vmem>>
    %dma_wait3A_109 = arith.constant 0 : i32
    %dma_wait3A_110 = tpu.memref_slice %arg4[%mul3A_2, %dma_wait3A_109] : memref<204800x128xf32, #tpu.memory_space<hbm>> -> memref<64x128xf32, #tpu.memory_space<hbm>>
    %dma_wait3A_111 = arith.constant 0 : i32
    %dma_wait3A_112 = tpu.memref_slice %arg4[%mul3A_2, %dma_wait3A_111] : memref<204800x128xf32, #tpu.memory_space<hbm>> -> memref<64x128xf32, #tpu.memory_space<hbm>>
    %dma_wait3A_113 = arith.constant 0 : i32
    %dma_wait3A_114 = arith.constant 0 : i32
    %dma_wait3A_115 = tpu.memref_slice %arg6[%dma_wait3A_104, %dma_wait3A_113, %dma_wait3A_114] : memref<10x64x128xf32, #tpu.memory_space<vmem>> -> memref<1x64x128xf32, #tpu.memory_space<vmem>>
    %dma_wait3A_116 = tpu.memref_squeeze %dma_wait3A_115 : memref<1x64x128xf32, #tpu.memory_space<vmem>> -> memref<64x128xf32, #tpu.memory_space<vmem>>
    tpu.wait_dma2 semaphore(%arg25 : memref<!tpu.dma_semaphore, #tpu.memory_space<semaphore_mem>>) src(%dma_wait3A_116 : memref<64x128xf32, #tpu.memory_space<vmem>>) dst(%dma_wait3A_112 : memref<64x128xf32, #tpu.memory_space<hbm>>)
    %dma_wait3A_117 = arith.constant 8 : i32
    %dma_wait3A_118 = arith.constant 0 : i32
    %dma_wait3A_119 = arith.constant 0 : i32
    %dma_wait3A_120 = tpu.memref_slice %arg6[%dma_wait3A_117, %dma_wait3A_118, %dma_wait3A_119] : memref<10x64x128xf32, #tpu.memory_space<vmem>> -> memref<1x64x128xf32, #tpu.memory_space<vmem>>
    %dma_wait3A_121 = tpu.memref_squeeze %dma_wait3A_120 : memref<1x64x128xf32, #tpu.memory_space<vmem>> -> memref<64x128xf32, #tpu.memory_space<vmem>>
    %dma_wait3A_122 = arith.constant 0 : i32
    %dma_wait3A_123 = tpu.memref_slice %arg4[%mul3A_2, %dma_wait3A_122] : memref<204800x128xf32, #tpu.memory_space<hbm>> -> memref<64x128xf32, #tpu.memory_space<hbm>>
    %dma_wait3A_124 = arith.constant 0 : i32
    %dma_wait3A_125 = tpu.memref_slice %arg4[%mul3A_2, %dma_wait3A_124] : memref<204800x128xf32, #tpu.memory_space<hbm>> -> memref<64x128xf32, #tpu.memory_space<hbm>>
    %dma_wait3A_126 = arith.constant 0 : i32
    %dma_wait3A_127 = arith.constant 0 : i32
    %dma_wait3A_128 = tpu.memref_slice %arg6[%dma_wait3A_117, %dma_wait3A_126, %dma_wait3A_127] : memref<10x64x128xf32, #tpu.memory_space<vmem>> -> memref<1x64x128xf32, #tpu.memory_space<vmem>>
    %dma_wait3A_129 = tpu.memref_squeeze %dma_wait3A_128 : memref<1x64x128xf32, #tpu.memory_space<vmem>> -> memref<64x128xf32, #tpu.memory_space<vmem>>
    tpu.wait_dma2 semaphore(%arg26 : memref<!tpu.dma_semaphore, #tpu.memory_space<semaphore_mem>>) src(%dma_wait3A_129 : memref<64x128xf32, #tpu.memory_space<vmem>>) dst(%dma_wait3A_125 : memref<64x128xf32, #tpu.memory_space<hbm>>)
    %dma_wait3A_130 = arith.constant 9 : i32
    %dma_wait3A_131 = arith.constant 0 : i32
    %dma_wait3A_132 = arith.constant 0 : i32
    %dma_wait3A_133 = tpu.memref_slice %arg6[%dma_wait3A_130, %dma_wait3A_131, %dma_wait3A_132] : memref<10x64x128xf32, #tpu.memory_space<vmem>> -> memref<1x64x128xf32, #tpu.memory_space<vmem>>
    %dma_wait3A_134 = tpu.memref_squeeze %dma_wait3A_133 : memref<1x64x128xf32, #tpu.memory_space<vmem>> -> memref<64x128xf32, #tpu.memory_space<vmem>>
    %dma_wait3A_135 = arith.constant 0 : i32
    %dma_wait3A_136 = tpu.memref_slice %arg4[%mul3A_2, %dma_wait3A_135] : memref<204800x128xf32, #tpu.memory_space<hbm>> -> memref<64x128xf32, #tpu.memory_space<hbm>>
    %dma_wait3A_137 = arith.constant 0 : i32
    %dma_wait3A_138 = tpu.memref_slice %arg4[%mul3A_2, %dma_wait3A_137] : memref<204800x128xf32, #tpu.memory_space<hbm>> -> memref<64x128xf32, #tpu.memory_space<hbm>>
    %dma_wait3A_139 = arith.constant 0 : i32
    %dma_wait3A_140 = arith.constant 0 : i32
    %dma_wait3A_141 = tpu.memref_slice %arg6[%dma_wait3A_130, %dma_wait3A_139, %dma_wait3A_140] : memref<10x64x128xf32, #tpu.memory_space<vmem>> -> memref<1x64x128xf32, #tpu.memory_space<vmem>>
    %dma_wait3A_142 = tpu.memref_squeeze %dma_wait3A_141 : memref<1x64x128xf32, #tpu.memory_space<vmem>> -> memref<64x128xf32, #tpu.memory_space<vmem>>
    tpu.wait_dma2 semaphore(%arg27 : memref<!tpu.dma_semaphore, #tpu.memory_space<semaphore_mem>>) src(%dma_wait3A_142 : memref<64x128xf32, #tpu.memory_space<vmem>>) dst(%dma_wait3A_138 : memref<64x128xf32, #tpu.memory_space<hbm>>)
    return
  }
}

</mosaic_0001>

<sc_bundles>
// kernel: kernel.3.cloned.1.call-start
scs
__scs_entry_jumppad:
0x0: {  	(pc) =	sbr.rel $0x88, $3  }
0x1: {  	(tag) =	ssettag $0x0;
	lr =	simm.s32 $0x1  }
0x2: {  	[smem:$0x3F9F] =	sst lr;
	_ =	strace $0xD0000000  }
0x3: {  	_ = 	snop  }
0x4: {  	_ = 	snop  }
0x5: {  	_ = 	snop  }
0x6: {  	_ = 	snop  }
0x7: {  	_ = 	snop  }
__scs_overlays_trampoline_lowered:
0x8: {  	[smem:$0x3FAE] =	sst s0  }
0x9: {  	[smem:$0x3FAF] =	sst s1  }
0xa: {  	[smem:$0x3FB0] =	sst s2  }
0xb: {  	[smem:$0x3FB1] =	sst s3  }
0xc: {  	[smem:$0x3FB2] =	sst s4  }
0xd: {  	[smem:$0x3FB3] =	sst s5  }
0xe: {  	[smem:$0x3FB4] =	sst s6  }
0xf: {  	[smem:$0x3FB5] =	sst s7  }
0x10: {  	[smem:$0x3FB6] =	sst s8  }
0x11: {  	[smem:$0x3FB7] =	sst s9;
	s0 =	simm.s32 @!p0 $0x0  }
0x12: {  	s1 =	sld [smem:$0x3F9D];
	s0 =	simm.s32 @p0 $0x1  }
0x13: {  	[smem:$0x3FB8] =	sst s0;
	s0 =	simm.s32 @!p1 $0x0  }
0x14: {  	s2 =	sld [smem:$0x3F9C];
	s0 =	simm.s32 @p1 $0x1  }
0x15: {  	[smem:$0x3FB9] =	sst s0;
	s0 =	simm.s32 @!p2 $0x0  }
0x16: {  	s3 =	sld [smem:$0x3FDB];
	s0 =	simm.s32 @p2 $0x1  }
0x17: {  	s4 =	simm.s32 $0x1BF5;
	[smem:$0x3FBB] =	sst s0  }
0x18: {  	s0 =	sld [smem:$0x3F9E];
	_ =	swait.ge [sflag:s4], $0x0  }
0x19: {  	s7 =	sld [smem:$0x3F9F]  }
0x1a: {  	s8 =	sadd.s32 $0xFFFFE003, lr  }
0x1b: {  	s9 =	sadd.s32 $0xFFFFFEF7, lr;
	s5 =	simm.s32 $0xFFFFFFFF;
	p2 =	slt.u32 s8, $0xFFFFF086  }
0x1c: {  	p1 =	slt.u32 s9, $0xF7A;
	s5 =	simm.s32 @!p2 $0x0  }
0x1d: {  	s5 =	simm.s32 @p1 $0x1;
	p0 =	seq.s32 s7, s2  }
0x1e: {  	s7 =	smul.u32 @!p0 $0xF7A, s2;
	p2 =	seq.s32 @!p0 s5, $0x0  }
0x1f: {  	s9 =	smul.u32 $0xF7A, s1;
	s8 =	simm.s32 @!p0 $0x1BF5;
	p2 =	por !p2, p0  }
0x20: {  	[sflag:s8] =	ssyncset.s32 @!p0 $0xFFFFF086;
	s6 =	sadd.s32 @!p0 s3, s7;
	s7 =	simm.s32 @!p0 $0x108  }
0x21: {  	s3 =	sadd.s32 s3, s9;
	s6 =	sadd.s32 @!p0 $0x88, s6;
	s7 =	simm.s32 @p2 $0x1082  }
0x22: {  	[simem:s7], [sflag:s8] =	dma.local @!p0 [hbm:s6], $0xF7A  }
0x23: {  	s9 =	sor.u32 $0xD0000000, s2;
	s6 =	simm.s32 $0x108;
	_ =	swait.ge @!p0 [sflag:s8], $0x0  }
0x24: {  	s3 =	sadd.s32 $0x88, s3;
	s6 =	simm.s32 @!p1 $0x1082;
	[sflag:s4] =	ssyncset.s32 $0xFFFFF086  }
0x25: {  	[simem:s6], [sflag:s4] =	dma.local [hbm:s3], $0xF7A  }
0x26: {  	[smem:$0x3F9F] =	sst s1;
	(tag) =	ssettag s2;
	_ =	strace s9  }
0x27: {  	s1 =	sld [smem:$0x3FAF]  }
0x28: {  	s2 =	sld [smem:$0x3FB0]  }
0x29: {  	s4 =	sld [smem:$0x3FB2]  }
0x2a: {  	p0 =	seq.s32 s5, $0x0;
	s5 =	sld [smem:$0x3FB3]  }
0x2b: {  	s6 =	sld [smem:$0x3FB4]  }
0x2c: {  	s7 =	sld [smem:$0x3FB5]  }
0x2d: {  	s3 =	simm.s32 $0x108;
	s8 =	sld [smem:$0x3FB6]  }
0x2e: {  	s3 =	simm.s32 @!p0 $0x1082;
	s9 =	sld [smem:$0x3FB7]  }
0x2f: {  	lr =	sadd.s32 s0, s3;
	s0 =	sld [smem:$0x3FAE]  }
0x30: {  	s3 =	sld [smem:$0x3FB1]  }
0x31: {  	[smem:$0x3FBA] =	sst s10  }
0x32: {  	s10 =	sld [smem:$0x3FB8];
	_ =	sdelay $0x3  }
0x33: {  	p0 =	seq.s32 s10, $0x1;
	s10 =	sld [smem:$0x3FBA];
	_ =	sdelay $0x3  }
0x34: {  	[smem:$0x3FBA] =	sst s10  }
0x35: {  	s10 =	sld [smem:$0x3FB9];
	_ =	sdelay $0x3  }
0x36: {  	p1 =	seq.s32 s10, $0x1;
	s10 =	sld [smem:$0x3FBA];
	_ =	sdelay $0x3  }
0x37: {  	[smem:$0x3FBA] =	sst s10  }
0x38: {  	s10 =	sld [smem:$0x3FBB]  }
0x39: {  	_ = 	snop;
	(pc) =	sbr.ind lr, $3  }
0x3a: {  	_ = 	snop  }
0x3b: {  	_ = 	snop  }
0x3c: {  	p2 =	seq.s32 s10, $0x1;
	s10 =	sld [smem:$0x3FBA]  }
0x3d: {  	_ =	shalt  }
0x3e: {  	_ =	shalt  }
0x3f: {  	_ =	shalt  }
0x40: {  	_ =	shalt  }
0x41: {  	_ =	shalt  }
0x42: {  	_ =	shalt  }
0x43: {  	_ =	shalt  }
0x44: {  	_ =	shalt  }
0x45: {  	_ =	shalt  }
0x46: {  	_ =	shalt  }
0x47: {  	_ =	shalt  }
0x48: {  	_ =	shalt  }
0x49: {  	_ =	shalt  }
0x4a: {  	_ =	shalt  }
0x4b: {  	_ =	shalt  }
0x4c: {  	_ =	shalt  }
0x4d: {  	_ =	shalt  }
0x4e: {  	_ =	shalt  }
0x4f: {  	_ =	shalt  }
0x50: {  	_ =	shalt  }
0x51: {  	_ =	shalt  }
0x52: {  	_ =	shalt  }
0x53: {  	_ =	shalt  }
0x54: {  	_ =	shalt  }
0x55: {  	_ =	shalt  }
0x56: {  	_ =	shalt  }
0x57: {  	_ =	shalt  }
0x58: {  	_ =	shalt  }
0x59: {  	_ =	shalt  }
0x5a: {  	_ =	shalt  }
0x5b: {  	_ =	shalt  }
0x5c: {  	_ =	shalt  }
0x5d: {  	_ =	shalt  }
0x5e: {  	_ =	shalt  }
0x5f: {  	_ =	shalt  }
0x60: {  	_ =	shalt  }
0x61: {  	_ =	shalt  }
0x62: {  	_ =	shalt  }
0x63: {  	_ =	shalt  }
0x64: {  	_ =	shalt  }
0x65: {  	_ =	shalt  }
0x66: {  	_ =	shalt  }
0x67: {  	_ =	shalt  }
0x68: {  	_ =	shalt  }
0x69: {  	_ =	shalt  }
0x6a: {  	_ =	shalt  }
0x6b: {  	_ =	shalt  }
0x6c: {  	_ =	shalt  }
0x6d: {  	_ =	shalt  }
0x6e: {  	_ =	shalt  }
0x6f: {  	_ =	shalt  }
0x70: {  	_ =	shalt  }
0x71: {  	_ =	shalt  }
0x72: {  	_ =	shalt  }
0x73: {  	_ =	shalt  }
0x74: {  	_ =	shalt  }
0x75: {  	_ =	shalt  }
0x76: {  	_ =	shalt  }
0x77: {  	_ =	shalt  }
0x78: {  	_ =	shalt  }
0x79: {  	_ =	shalt  }
0x7a: {  	_ =	shalt  }
0x7b: {  	_ =	shalt  }
0x7c: {  	_ =	shalt  }
0x7d: {  	_ =	shalt  }
0x7e: {  	_ =	shalt  }
0x7f: {  	_ =	shalt  }
0x80: {  	_ =	shalt  }
0x81: {  	_ =	shalt  }
0x82: {  	_ =	shalt  }
0x83: {  	_ =	shalt  }
0x84: {  	_ =	shalt  }
0x85: {  	_ =	shalt  }
0x86: {  	_ =	shalt  }
0x87: {  	_ =	shalt  }
.Lfunc_end0:
.L_simem_size_0:
called_computation_lowered:
.L_overlay_start_0:
0x88: {  	s2 =	sld [smem:$0x3FD9]  }
0x89: {  	s3 =	sld [smem:$0x3FFE];
	_ =	sdelay $0x1  }
0x8a: {  	s1 =	srdreg.scid  }
0x8b: {  	s0 =	sand.u32 $0x1, s1  }
0x8c: {  	s17 =	sshll.u32 s0, $0xA;
	s2 =	sadd.s32 s3, s2  }
0x8d: {  	s2 =	sadd.s32 s2, s17  }
0x8e: {  	[smem:$0x3FC6] =	sst s2  }
0x8f: {  	_ = 	snop  }
0x90: {  	s2 =	sld [smem:$0x3FC8]  }
0x91: {  	s18 =	sld [smem:$0x3FD0];
	(tm) =	ssettm $0x1  }
0x92: {  	s4 =	sld [smem:$0x3FFB];
	_ =	sdelay $0x3  }
0x93: {  	_ =	strace s4  }
0x94: {  	s4 =	sld [smem:$0x3FFC];
	_ =	sdelay $0x3  }
0x95: {  	_ =	strace s4  }
0x96: {  	s4 =	sld [smem:$0x3FFD];
	_ =	sdelay $0x3  }
0x97: {  	_ =	strace s4  }
0x98: {  	_ =	strace $0x8FFFFFFF  }
0x99: {  	s19 =	sld [smem:$0x3FDB];
	_ =	sdelay $0x1  }
0x9a: {  	s5 =	simm.s32 $_scs_section_size  }
0x9b: {  	s6 =	simm.s32 $_size__tile_overlayer_lowered;
	s7 =	simm.s32 $_tile_overlayer_lowered  }
0x9c: {  	s22 =	simm.s32 $0x1BFF;
	s21 =	sshll.u32 s7, $0x1;
	s4 =	sadd.s32 s5, s19  }
0x9d: {  	s8 =	simm.s32 $0x0;
	s20 =	sshll.u32 s6, $0x1;
	s6 =	sadd.s32 s21, s4  }
0x9e: {  	[timem:s8], [sflag:s22] =	dma.local [hbm:s6], s20  }
0x9f: {  	_ =	swait.ge [sflag:s22], s20  }
0xa0: {  	s5 =	ssub.s32 $0x0, s20;
	[sflag:s22] =	ssyncset.done $0x0  }
0xa1: {  	[sflag:s22] =	ssyncadd.s32 s5;
	_ =	sdelay $0x1  }
0xa2: {  	s23 =	simm.s32 $0x1B8B  }
0xa3: {  	_ =	swait.ge [sflag:s23], $0x1  }
0xa4: {  	[sflag:s23] =	ssyncset.done $0x0  }
0xa5: {  	s25 =	simm.s32 $0x1B8E;
	s24 =	sld [smem:$0x3FFE];
	[sflag:s23] =	ssyncadd.s32 $0xFFFFFFFF  }
0xa6: {  	s26 =	simm.s32 $execute0_lowered;
	[smem:$0x3FD2] =	sst s25  }
0xa7: {  	s6 =	sshll.u32 s26, $0x1;
	_ =	strace $0x80000046;
	[dreg:$0x1] =	wrdreg $0xFFFFFFFF  }
0xa8: {  	s28 =	simm.s32 $_size_execute0_lowered;
	s4 =	sadd.s32 s4, s6;
	[dreg:$0x0] =	wrdreg $0x0  }
0xa9: {  	s6 =	sshll.u32 s28, $0x1;
	[dreg:$0x2] =	wrdreg s4  }
0xaa: {  	[dreg:$0x3] =	wrdreg s6  }
0xab: {  	[dreg:$0x4] =	wrdreg $0xC0  }
0xac: {  	_ =	task [dreg:s8], $0x5FFFF  }
0xad: {  	[dreg:$0x1] =	wrdreg $0xFFFFFFFF  }
0xae: {  	[dreg:$0x0] =	wrdreg $0x60  }
0xaf: {  	[dreg:$0x2] =	wrdreg s24  }
0xb0: {  	[dreg:$0x3] =	wrdreg s2  }
0xb1: {  	[dreg:$0x4] =	wrdreg s18  }
0xb2: {  	[dreg:$0x5] =	wrdreg $0x174000  }
0xb3: {  	[dreg:$0x6] =	wrdreg $0x9  }
0xb4: {  	_ =	task.clear_ibuf [dreg:s8], $0x7FFFF;
	_ =	strace $0x90000046  }
0xb5: {  	s29 =	simm.s32 $0x9;
	_ =	strace $0x80000048  }
0xb6: {  	_ =	swait.ge [sflag:s29], $0x1  }
0xb7: {  	[sflag:s29] =	ssyncadd.s32 $0xFFFFFFFF  }
0xb8: {  	_ =	strace $0x90000048  }
0xb9: {  	_ =	sfence  }
0xba: {  	s30 =	sld [smem:$0x0];
	_ =	sdelay $0x2  }
0xbb: {  	s31 =	sshll.u32 s1, $0xD;
	s1 =	sshrl.u32 s1, $0x2  }
0xbc: {  	s3 =	sand.u32 $0x4000, s31;
	s1 =	sadd.s32 s1, s30  }
0xbd: {  	s0 =	sor.u32 s3, s0;
	s1 =	sshll.u32 s1, $0x11  }
0xbe: {  	s0 =	sor.u32 s1, s0  }
0xbf: {  	s0 =	sadd.s32 $0x8F2B, s0  }
0xc0: {  	[sflag:s0] =	ssyncadd.remote.s32 $0x1  }
0xc1: {  	_ =	sfence.sel $0xFFFF  }
0xc2: {  	[dreg:$0x0] =	wrdreg $0xFFFFFFFF;
	(pc) =	sbr.abs _section_cstart, $3  }
0xc3: {  	[dreg:$0x1] =	wrdreg $0xFFFFFFFF  }
0xc4: {  	_ =	task.clear_ibuf [dreg:s8], $0x2FFFF;
	_ =	strace $0x9FFFFFFF  }
0xc5: {  	(tm) =	ssettm $0x7FFFFFFF  }
tec
execute0_lowered:
.L_overlay_start_1:
0x0: {  	(tag) =	ssettag $0x1  }
0x1: {  	s0 =	rddreg [dreg:$0x0];
	s11 =	stileid.u32  }
0x2: {  	s1 =	srdreg.scid;
	s6 =	smul.u32 $0x1D000, s11  }
0x3: {  	s2 =	rddreg [dreg:$0x1];
	s7 =	smul.u32 $0xE80, s11  }
0x4: {  	s28 =	simm.s32 $0x4;
	s29 =	simm.s32 $0x5;
	s9 =	smul.u32 $0x32000, s11  }
0x5: {  	s30 =	simm.s32 $0x6;
	s1 =	sand.u32 $0x1, s1;
	s10 =	smul.u32 $0x190000, s11  }
0x6: {  	s31 =	simm.s32 $0x7;
	s3 =	sshll.u32 s11, $0x1;
	s23 =	smul.u32 $0xC8000, s1  }
0x7: {  	s4 =	sor.u32 s1, s3;
	s8 =	ssub.s32 $0x2, s1;
	s1 =	smul.u32 $0x19000, s1  }
0x8: {  	p0 =	seq.s32 s11, $0xF;
	s3 =	rddreg [dreg:$0x3];
	s5 =	smul.u32 $0x680, s4  }
0x9: {  	s4 =	simm.s32 $0x0;
	s22 =	sshrl.u32 s8, $0x1;
	s6 =	sshrl.u32 s6, $0x2  }
0xa: {  	s7 =	sadd.s32 s2, s7;
	s2 =	sadd.s32 $0xD980, s2;
	[smem:$0x7FF] =	sst s4  }
0xb: {  	s6 =	sadd.s32 s6, s3;
	s24 =	sadd.s32 s23, s10;
	s25 =	sadd.s32 s1, s9  }
0xc: {  	_ =	strace $0x80000047;
	s0 =	sadd.s32 s5, s0;
	[dreg:$0xf] =	wrdreg s7  }
0xd: {  	s5 =	ssub.s32 s8, s22;
	s7 =	sadd.s32 $0x6CC00, s3;
	[dreg:$0x10] =	wrdreg s2  }
0xe: {  	s26 =	sor.u32 $0x2000, s24;
	[dreg:$0x5] =	wrdreg s25;
	s9 =	sor.u32 $0x4000, s24  }
0xf: {  	s12 =	sadd.s32 $0x12000, s24;
	s14 =	sor.u32 $0x6000, s24;
	s16 =	sadd.s32 $0x8000, s24  }
0x10: {  	s18 =	sadd.s32 $0x10000, s24;
	s20 =	sadd.s32 $0xA000, s24;
	s0 =	sadd.s32 $0x400, s0  }
0x11: {  	s22 =	sadd.s32 $0xE000, s24;
	s8 =	sshrl.u32 s26, $0x3;
	[dreg:$0x11] =	wrdreg s0  }
0x12: {  	s24 =	sadd.s32 $0xC000, s24;
	s10 =	sshrl.u32 s9, $0x3;
	[dreg:$0x6] =	wrdreg s8  }
0x13: {  	s2 =	simm.s32 $0xA;
	s13 =	sshrl.u32 s12, $0x3;
	[dreg:$0x7] =	wrdreg s10  }
0x14: {  	s15 =	sshrl.u32 s14, $0x3;
	s17 =	sshrl.u32 s16, $0x3;
	[dreg:$0x8] =	wrdreg s13  }
0x15: {  	s19 =	sshrl.u32 s18, $0x3;
	s21 =	sshrl.u32 s20, $0x3;
	[dreg:$0x9] =	wrdreg s15  }
0x16: {  	s23 =	sshrl.u32 s22, $0x3;
	s25 =	sshrl.u32 s24, $0x3;
	[dreg:$0xa] =	wrdreg s17  }
0x17: {  	s26 =	smax.u32 s5, $0x1;
	s1 =	sshrl.u32 @p0 s7, $0x3;
	[dreg:$0xb] =	wrdreg s19  }
0x18: {  	s14 =	simm.s32 $0x3400;
	s16 =	simm.s32 $0x7400;
	[dreg:$0xc] =	wrdreg s21  }
0x19: {  	s18 =	simm.s32 $0xB400;
	s20 =	simm.s32 $0xF400;
	[dreg:$0xd] =	wrdreg s23  }
0x1a: {  	s22 =	simm.s32 $0x13400;
	s24 =	simm.s32 $0x1;
	[dreg:$0x12] =	wrdreg s26  }
0x1b: {  	s12 =	simm.s32 $0x12;
	s5 =	simm.s32 $0x13;
	[dreg:$0xe] =	wrdreg s25  }
0x1c: {  	s7 =	simm.s32 $0x0;
	s0 =	sshll.u32 @!p0 s11, $0x6;
	[dreg:$0x13] =	wrdreg s1  }
0x1d: {  	s13 =	simm.s32 $0x40;
	s15 =	simm.s32 $0x5400;
	s17 =	simm.s32 $0x9400  }
0x1e: {  	s19 =	simm.s32 $0xD400;
	s21 =	simm.s32 $0x11400;
	s23 =	simm.s32 $0x15400  }
0x1f: {  	s25 =	simm.s32 $0x2;
	s26 =	simm.s32 $0x3;
	s0 =	sor.u32 @!p0 $0x1C15, s0  }
0x20: {  	s1 =	simm.s32 $0x8;
	[dreg:$0x14] =	wrdreg s0;
	s0 =	sshrl.u32 @!p0 s6, $0x3  }
0x21: {  	s6 =	simm.s32 $0x14;
	[dreg:$0x15] =	wrdreg s0;
	s0 =	simm.s32 $0x9  }
.LBB2_1:
0x22: {  	s9 =	rddreg [dreg:$0x10]  }
0x23: {  	s8 =	simm.s32 @p0 $0x1FD5;
	s10 =	rddreg [dreg:$0x13]  }
0x24: {  	[spmem:s10], [sflag:s8] =	dma.local @p0 [hbm:s9], $0xAA0  }
0x25: {  	s8 =	simm.s32 @p0 $0x15  }
0x26: {  	_ =	swait.ge @p0 [sflag:s8], $0xAA0  }
0x27: {  	s9 =	rddreg [dreg:$0x14]  }
0x28: {  	[sflag:s8] =	ssyncset.done @p0 $0x0;
	s10 =	rddreg [dreg:$0x15]  }
0x29: {  	[sflag:s8] =	ssyncadd.s32 @p0 $0xFFFFF560;
	s8 =	rddreg [dreg:$0xf]  }
0x2a: {  	[spmem:s10], [sflag:s9] =	dma.local @!p0 [hbm:s8], $0xE80  }
0x2b: {  	s8 =	simm.s32 @!p0 $0x15  }
0x2c: {  	_ =	swait.ge @!p0 [sflag:s8], $0xE80  }
0x2d: {  	[sflag:s8] =	ssyncset.done @!p0 $0x0  }
0x2e: {  	s11 =	simm.s32 $0x15;
	s10 =	rddreg [dreg:$0x11];
	[sflag:s8] =	ssyncadd.s32 @!p0 $0xFFFFF180  }
0x2f: {  	[tilespmem:s4], [sflag:$0x15] =	stream.linear.gather [hbm4b:s10+s4], $0x3200, $0x38;
	[tilespmem:$0x1E610] =	vst v63  }
0x30: {  	_ =	swait.ge [sflag:s11], $0x3200  }
0x31: {  	[sflag:s11] =	ssyncset.done $0x0  }
0x32: {  	[sflag:s11] =	ssyncadd.s32 $0xFFFFCE00  }
0x33: {  	[bflag:$0x0] =	sbarrier.arrive $0xFFFF  }
0x34: {  	s9 =	simm.s32 $0x0;
	s8 =	rddreg [dreg:$0x2]  }
.LBB2_2:
0x35: {  	p1 =	seq.s32 s9, $0x0  }
0x36: {  	s10 =	simm.s32 @!p1 $0xB  }
0x37: {  	_ =	swait.ge @!p1 [sflag:s10], $0x2000  }
0x38: {  	[sflag:s10] =	ssyncset.done @!p1 $0x0  }
0x39: {  	[sflag:s10] =	ssyncadd.s32 @!p1 $0xFFFFE000;
	s10 =	sshra.s32 s9, $0x2  }
0x3a: {  	v0 =	vld [tilespmem:s10+$0x0]  }
0x3b: {  	v1 =	vld [tilespmem:s10+$0x10]  }
0x3c: {  	v2 =	vld [tilespmem:s10+$0x20]  }
0x3d: {  	v3 =	vld [tilespmem:s10+$0x30];
	_ =	sdelay $0x2  }
0x3e: {  	v4 =	vsub.s32 $0x0, v0  }
0x3f: {  	v63 =	vsub.s32 $0x0, v1;
	v8 =	vsub.s32 $0x0, v2;
	v0 =	vmin.u32 v0, v4  }
0x40: {  	v9 =	vsub.s32 $0x0, v3;
	v1 =	vmin.u32 v1, v63;
	vm0 =	vlt.s32 v0, $0xE41  }
0x41: {  	v2 =	vmin.u32 v2, v8;
	vm13 =	vlt.s32 v1, $0xE41;
	v0 =	vnsel vm0, $0xE41, v0  }
0x42: {  	v11 =	vmin.u32 v3, v9;
	vm14 =	vlt.s32 v2, $0xE41;
	v10 =	vnsel vm13, $0xE41, v1;
	[tilespmem:s10+$0x0] =	vst v0  }
0x43: {  	vm15 =	vlt.s32 v11, $0xE41;
	v12 =	vnsel vm14, $0xE41, v2;
	[tilespmem:s10+$0x10] =	vst v10  }
0x44: {  	v13 =	vnsel vm15, $0xE41, v11;
	[tilespmem:s10+$0x20] =	vst v12  }
0x45: {  	s11 =	simm.s32 @!p1 $0xC;
	[tilespmem:s10+$0x30] =	vst v13  }
0x46: {  	[tilespmem:s14], [sflag:$0x1] =	stream.indirect.gather [spmem:s3], $0x80, s10, s13, $0xb8;
	[tilespmem:$0x1E610] =	vst v63  }
0x47: {  	_ =	swait.ge @!p1 [sflag:s11], $0x2000  }
0x48: {  	[sflag:s11] =	ssyncset.done @!p1 $0x0  }
0x49: {  	[sflag:s11] =	ssyncadd.s32 @!p1 $0xFFFFE000  }
0x4a: {  	v14 =	vld [tilespmem:s10+$0x80]  }
0x4b: {  	v15 =	vld [tilespmem:s10+$0x90]  }
0x4c: {  	v16 =	vld [tilespmem:s10+$0xA0]  }
0x4d: {  	v17 =	vld [tilespmem:s10+$0xB0];
	_ =	sdelay $0x2  }
0x4e: {  	v18 =	vsub.s32 $0x0, v14  }
0x4f: {  	v19 =	vsub.s32 $0x0, v15;
	v20 =	vsub.s32 $0x0, v16;
	v0 =	vmin.u32 v14, v18  }
0x50: {  	v21 =	vsub.s32 $0x0, v17;
	v1 =	vmin.u32 v15, v19;
	vm4 =	vlt.s32 v0, $0xE41  }
0x51: {  	v2 =	vmin.u32 v16, v20;
	vm5 =	vlt.s32 v1, $0xE41;
	v0 =	vnsel vm4, $0xE41, v0  }
0x52: {  	v23 =	vmin.u32 v17, v21;
	vm6 =	vlt.s32 v2, $0xE41;
	v22 =	vnsel vm5, $0xE41, v1;
	[tilespmem:s10+$0x80] =	vst v0  }
0x53: {  	vm7 =	vlt.s32 v23, $0xE41;
	v24 =	vnsel vm6, $0xE41, v2;
	[tilespmem:s10+$0x90] =	vst v22  }
0x54: {  	v25 =	vnsel vm7, $0xE41, v23;
	[tilespmem:s10+$0xA0] =	vst v24  }
0x55: {  	s11 =	sadd.s32 $0x80, s10;
	[tilespmem:s10+$0xB0] =	vst v25  }
0x56: {  	[tilespmem:s15], [sflag:$0x2] =	stream.indirect.gather [spmem:s3], $0x80, s11, s13, $0xb8;
	[tilespmem:$0x1E610] =	vst v63  }
0x57: {  	s11 =	simm.s32 @!p1 $0xD  }
0x58: {  	_ =	swait.ge @!p1 [sflag:s11], $0x2000  }
0x59: {  	[sflag:s11] =	ssyncset.done @!p1 $0x0  }
0x5a: {  	[sflag:s11] =	ssyncadd.s32 @!p1 $0xFFFFE000  }
0x5b: {  	v26 =	vld [tilespmem:s10+$0x100]  }
0x5c: {  	v27 =	vld [tilespmem:s10+$0x110]  }
0x5d: {  	v28 =	vld [tilespmem:s10+$0x120]  }
0x5e: {  	v29 =	vld [tilespmem:s10+$0x130];
	_ =	sdelay $0x2  }
0x5f: {  	v30 =	vsub.s32 $0x0, v26  }
0x60: {  	v31 =	vsub.s32 $0x0, v27;
	v32 =	vsub.s32 $0x0, v28;
	v0 =	vmin.u32 v26, v30  }
0x61: {  	v33 =	vsub.s32 $0x0, v29;
	v1 =	vmin.u32 v27, v31;
	vm8 =	vlt.s32 v0, $0xE41  }
0x62: {  	v2 =	vmin.u32 v28, v32;
	vm9 =	vlt.s32 v1, $0xE41;
	v0 =	vnsel vm8, $0xE41, v0  }
0x63: {  	v35 =	vmin.u32 v29, v33;
	vm10 =	vlt.s32 v2, $0xE41;
	v34 =	vnsel vm9, $0xE41, v1;
	[tilespmem:s10+$0x100] =	vst v0  }
0x64: {  	vm11 =	vlt.s32 v35, $0xE41;
	v36 =	vnsel vm10, $0xE41, v2;
	[tilespmem:s10+$0x110] =	vst v34  }
0x65: {  	v37 =	vnsel vm11, $0xE41, v35;
	[tilespmem:s10+$0x120] =	vst v36  }
0x66: {  	s11 =	sadd.s32 $0x100, s10;
	[tilespmem:s10+$0x130] =	vst v37  }
0x67: {  	[tilespmem:s16], [sflag:$0x3] =	stream.indirect.gather [spmem:s3], $0x80, s11, s13, $0xb8;
	[tilespmem:$0x1E610] =	vst v63  }
0x68: {  	s11 =	simm.s32 @!p1 $0xE  }
0x69: {  	_ =	swait.ge @!p1 [sflag:s11], $0x2000  }
0x6a: {  	[sflag:s11] =	ssyncset.done @!p1 $0x0  }
0x6b: {  	[sflag:s11] =	ssyncadd.s32 @!p1 $0xFFFFE000  }
0x6c: {  	v38 =	vld [tilespmem:s10+$0x180]  }
0x6d: {  	v39 =	vld [tilespmem:s10+$0x190]  }
0x6e: {  	v40 =	vld [tilespmem:s10+$0x1A0]  }
0x6f: {  	v41 =	vld [tilespmem:s10+$0x1B0];
	_ =	sdelay $0x2  }
0x70: {  	v42 =	vsub.s32 $0x0, v38  }
0x71: {  	v43 =	vsub.s32 $0x0, v39;
	v44 =	vsub.s32 $0x0, v40;
	v0 =	vmin.u32 v38, v42  }
0x72: {  	v45 =	vsub.s32 $0x0, v41;
	v1 =	vmin.u32 v39, v43;
	vm12 =	vlt.s32 v0, $0xE41  }
0x73: {  	v2 =	vmin.u32 v40, v44;
	vm13 =	vlt.s32 v1, $0xE41;
	v0 =	vnsel vm12, $0xE41, v0  }
0x74: {  	v47 =	vmin.u32 v41, v45;
	vm14 =	vlt.s32 v2, $0xE41;
	v46 =	vnsel vm13, $0xE41, v1;
	[tilespmem:s10+$0x180] =	vst v0  }
0x75: {  	vm15 =	vlt.s32 v47, $0xE41;
	v48 =	vnsel vm14, $0xE41, v2;
	[tilespmem:s10+$0x190] =	vst v46  }
0x76: {  	v49 =	vnsel vm15, $0xE41, v47;
	[tilespmem:s10+$0x1A0] =	vst v48  }
0x77: {  	s11 =	sadd.s32 $0x180, s10;
	[tilespmem:s10+$0x1B0] =	vst v49  }
0x78: {  	[tilespmem:s17], [sflag:$0x4] =	stream.indirect.gather [spmem:s3], $0x80, s11, s13, $0xb8;
	[tilespmem:$0x1E610] =	vst v63  }
0x79: {  	s11 =	simm.s32 @!p1 $0xF  }
0x7a: {  	_ =	swait.ge @!p1 [sflag:s11], $0x2000  }
0x7b: {  	[sflag:s11] =	ssyncset.done @!p1 $0x0  }
0x7c: {  	[sflag:s11] =	ssyncadd.s32 @!p1 $0xFFFFE000  }
0x7d: {  	v50 =	vld [tilespmem:s10+$0x200]  }
0x7e: {  	v51 =	vld [tilespmem:s10+$0x210]  }
0x7f: {  	v52 =	vld [tilespmem:s10+$0x220]  }
0x80: {  	v53 =	vld [tilespmem:s10+$0x230];
	_ =	sdelay $0x2  }
0x81: {  	v54 =	vsub.s32 $0x0, v50  }
0x82: {  	v55 =	vsub.s32 $0x0, v51;
	v56 =	vsub.s32 $0x0, v52;
	v0 =	vmin.u32 v50, v54  }
0x83: {  	v57 =	vsub.s32 $0x0, v53;
	v1 =	vmin.u32 v51, v55;
	vm4 =	vlt.s32 v0, $0xE41  }
0x84: {  	v2 =	vmin.u32 v52, v56;
	vm5 =	vlt.s32 v1, $0xE41;
	v0 =	vnsel vm4, $0xE41, v0  }
0x85: {  	v59 =	vmin.u32 v53, v57;
	vm6 =	vlt.s32 v2, $0xE41;
	v58 =	vnsel vm5, $0xE41, v1;
	[tilespmem:s10+$0x200] =	vst v0  }
0x86: {  	vm7 =	vlt.s32 v59, $0xE41;
	v60 =	vnsel vm6, $0xE41, v2;
	[tilespmem:s10+$0x210] =	vst v58  }
0x87: {  	v61 =	vnsel vm7, $0xE41, v59;
	[tilespmem:s10+$0x220] =	vst v60  }
0x88: {  	s11 =	sadd.s32 $0x200, s10;
	[tilespmem:s10+$0x230] =	vst v61  }
0x89: {  	[tilespmem:s18], [sflag:$0x5] =	stream.indirect.gather [spmem:s3], $0x80, s11, s13, $0xb8;
	[tilespmem:$0x1E610] =	vst v63  }
0x8a: {  	s11 =	simm.s32 @!p1 $0x10  }
0x8b: {  	_ =	swait.ge @!p1 [sflag:s11], $0x2000  }
0x8c: {  	[sflag:s11] =	ssyncset.done @!p1 $0x0  }
0x8d: {  	[sflag:s11] =	ssyncadd.s32 @!p1 $0xFFFFE000  }
0x8e: {  	v62 =	vld [tilespmem:s10+$0x280]  }
0x8f: {  	v63 =	vld [tilespmem:s10+$0x290]  }
0x90: {  	v8 =	vld [tilespmem:s10+$0x2A0]  }
0x91: {  	v9 =	vld [tilespmem:s10+$0x2B0];
	_ =	sdelay $0x2  }
0x92: {  	v10 =	vsub.s32 $0x0, v62  }
0x93: {  	v11 =	vsub.s32 $0x0, v63;
	v12 =	vsub.s32 $0x0, v8;
	v0 =	vmin.u32 v62, v10  }
0x94: {  	v13 =	vsub.s32 $0x0, v9;
	v1 =	vmin.u32 v63, v11;
	vm8 =	vlt.s32 v0, $0xE41  }
0x95: {  	v2 =	vmin.u32 v8, v12;
	vm9 =	vlt.s32 v1, $0xE41;
	v0 =	vnsel vm8, $0xE41, v0  }
0x96: {  	v15 =	vmin.u32 v9, v13;
	vm10 =	vlt.s32 v2, $0xE41;
	v14 =	vnsel vm9, $0xE41, v1;
	[tilespmem:s10+$0x280] =	vst v0  }
0x97: {  	vm11 =	vlt.s32 v15, $0xE41;
	v16 =	vnsel vm10, $0xE41, v2;
	[tilespmem:s10+$0x290] =	vst v14  }
0x98: {  	v17 =	vnsel vm11, $0xE41, v15;
	[tilespmem:s10+$0x2A0] =	vst v16  }
0x99: {  	s11 =	sadd.s32 $0x280, s10;
	[tilespmem:s10+$0x2B0] =	vst v17  }
0x9a: {  	[tilespmem:s19], [sflag:$0x6] =	stream.indirect.gather [spmem:s3], $0x80, s11, s13, $0xb8;
	[tilespmem:$0x1E610] =	vst v63  }
0x9b: {  	s11 =	simm.s32 @!p1 $0x11  }
0x9c: {  	_ =	swait.ge @!p1 [sflag:s11], $0x2000  }
0x9d: {  	[sflag:s11] =	ssyncset.done @!p1 $0x0  }
0x9e: {  	[sflag:s11] =	ssyncadd.s32 @!p1 $0xFFFFE000  }
0x9f: {  	v18 =	vld [tilespmem:s10+$0x300]  }
0xa0: {  	v19 =	vld [tilespmem:s10+$0x310]  }
0xa1: {  	v20 =	vld [tilespmem:s10+$0x320]  }
0xa2: {  	v21 =	vld [tilespmem:s10+$0x330];
	_ =	sdelay $0x2  }
0xa3: {  	v22 =	vsub.s32 $0x0, v18  }
0xa4: {  	v23 =	vsub.s32 $0x0, v19;
	v24 =	vsub.s32 $0x0, v20;
	v0 =	vmin.u32 v18, v22  }
0xa5: {  	v25 =	vsub.s32 $0x0, v21;
	v1 =	vmin.u32 v19, v23;
	vm12 =	vlt.s32 v0, $0xE41  }
0xa6: {  	v2 =	vmin.u32 v20, v24;
	vm13 =	vlt.s32 v1, $0xE41;
	v0 =	vnsel vm12, $0xE41, v0  }
0xa7: {  	v27 =	vmin.u32 v21, v25;
	vm14 =	vlt.s32 v2, $0xE41;
	v26 =	vnsel vm13, $0xE41, v1;
	[tilespmem:s10+$0x300] =	vst v0  }
0xa8: {  	vm15 =	vlt.s32 v27, $0xE41;
	v28 =	vnsel vm14, $0xE41, v2;
	[tilespmem:s10+$0x310] =	vst v26  }
0xa9: {  	v29 =	vnsel vm15, $0xE41, v27;
	[tilespmem:s10+$0x320] =	vst v28  }
0xaa: {  	s11 =	sadd.s32 $0x300, s10;
	[tilespmem:s10+$0x330] =	vst v29  }
0xab: {  	[tilespmem:s20], [sflag:$0x7] =	stream.indirect.gather [spmem:s3], $0x80, s11, s13, $0xb8;
	[tilespmem:$0x1E610] =	vst v63  }
0xac: {  	s11 =	simm.s32 @!p1 $0x12  }
0xad: {  	_ =	swait.ge @!p1 [sflag:s11], $0x2000  }
0xae: {  	[sflag:s11] =	ssyncset.done @!p1 $0x0  }
0xaf: {  	[sflag:s11] =	ssyncadd.s32 @!p1 $0xFFFFE000  }
0xb0: {  	v30 =	vld [tilespmem:s10+$0x380]  }
0xb1: {  	v31 =	vld [tilespmem:s10+$0x390]  }
0xb2: {  	v32 =	vld [tilespmem:s10+$0x3A0]  }
0xb3: {  	v33 =	vld [tilespmem:s10+$0x3B0];
	_ =	sdelay $0x2  }
0xb4: {  	v34 =	vsub.s32 $0x0, v30  }
0xb5: {  	v35 =	vsub.s32 $0x0, v31;
	v36 =	vsub.s32 $0x0, v32;
	v0 =	vmin.u32 v30, v34  }
0xb6: {  	v37 =	vsub.s32 $0x0, v33;
	v1 =	vmin.u32 v31, v35;
	vm4 =	vlt.s32 v0, $0xE41  }
0xb7: {  	v2 =	vmin.u32 v32, v36;
	vm5 =	vlt.s32 v1, $0xE41;
	v0 =	vnsel vm4, $0xE41, v0  }
0xb8: {  	v39 =	vmin.u32 v33, v37;
	vm6 =	vlt.s32 v2, $0xE41;
	v38 =	vnsel vm5, $0xE41, v1;
	[tilespmem:s10+$0x380] =	vst v0  }
0xb9: {  	vm7 =	vlt.s32 v39, $0xE41;
	v40 =	vnsel vm6, $0xE41, v2;
	[tilespmem:s10+$0x390] =	vst v38  }
0xba: {  	v41 =	vnsel vm7, $0xE41, v39;
	[tilespmem:s10+$0x3A0] =	vst v40  }
0xbb: {  	s11 =	sadd.s32 $0x380, s10;
	[tilespmem:s10+$0x3B0] =	vst v41  }
0xbc: {  	[tilespmem:s21], [sflag:$0x8] =	stream.indirect.gather [spmem:s3], $0x80, s11, s13, $0xb8;
	[tilespmem:$0x1E610] =	vst v63  }
0xbd: {  	s11 =	simm.s32 @!p1 $0x13  }
0xbe: {  	_ =	swait.ge @!p1 [sflag:s11], $0x2000  }
0xbf: {  	[sflag:s11] =	ssyncset.done @!p1 $0x0  }
0xc0: {  	[sflag:s11] =	ssyncadd.s32 @!p1 $0xFFFFE000  }
0xc1: {  	v42 =	vld [tilespmem:s10+$0x400]  }
0xc2: {  	v43 =	vld [tilespmem:s10+$0x410]  }
0xc3: {  	v44 =	vld [tilespmem:s10+$0x420]  }
0xc4: {  	v45 =	vld [tilespmem:s10+$0x430];
	_ =	sdelay $0x2  }
0xc5: {  	v46 =	vsub.s32 $0x0, v42  }
0xc6: {  	v47 =	vsub.s32 $0x0, v43;
	v48 =	vsub.s32 $0x0, v44;
	v0 =	vmin.u32 v42, v46  }
0xc7: {  	v49 =	vsub.s32 $0x0, v45;
	v1 =	vmin.u32 v43, v47;
	vm8 =	vlt.s32 v0, $0xE41  }
0xc8: {  	v2 =	vmin.u32 v44, v48;
	vm9 =	vlt.s32 v1, $0xE41;
	v0 =	vnsel vm8, $0xE41, v0  }
0xc9: {  	v51 =	vmin.u32 v45, v49;
	vm10 =	vlt.s32 v2, $0xE41;
	v50 =	vnsel vm9, $0xE41, v1;
	[tilespmem:s10+$0x400] =	vst v0  }
0xca: {  	vm11 =	vlt.s32 v51, $0xE41;
	v52 =	vnsel vm10, $0xE41, v2;
	[tilespmem:s10+$0x410] =	vst v50  }
0xcb: {  	v53 =	vnsel vm11, $0xE41, v51;
	[tilespmem:s10+$0x420] =	vst v52  }
0xcc: {  	s11 =	sadd.s32 $0x400, s10;
	[tilespmem:s10+$0x430] =	vst v53  }
0xcd: {  	[tilespmem:s22], [sflag:$0x9] =	stream.indirect.gather [spmem:s3], $0x80, s11, s13, $0xb8;
	[tilespmem:$0x1E610] =	vst v63  }
0xce: {  	s11 =	simm.s32 @!p1 $0x14  }
0xcf: {  	_ =	swait.ge @!p1 [sflag:s11], $0x2000  }
0xd0: {  	[sflag:s11] =	ssyncset.done @!p1 $0x0  }
0xd1: {  	[sflag:s11] =	ssyncadd.s32 @!p1 $0xFFFFE000  }
0xd2: {  	v54 =	vld [tilespmem:s10+$0x480]  }
0xd3: {  	v55 =	vld [tilespmem:s10+$0x490]  }
0xd4: {  	v56 =	vld [tilespmem:s10+$0x4A0]  }
0xd5: {  	v57 =	vld [tilespmem:s10+$0x4B0];
	_ =	sdelay $0x2  }
0xd6: {  	v58 =	vsub.s32 $0x0, v54  }
0xd7: {  	v59 =	vsub.s32 $0x0, v55;
	v60 =	vsub.s32 $0x0, v56;
	v0 =	vmin.u32 v54, v58  }
0xd8: {  	v61 =	vsub.s32 $0x0, v57;
	v1 =	vmin.u32 v55, v59;
	vm12 =	vlt.s32 v0, $0xE41  }
0xd9: {  	v2 =	vmin.u32 v56, v60;
	vm13 =	vlt.s32 v1, $0xE41;
	v0 =	vnsel vm12, $0xE41, v0  }
0xda: {  	v62 =	vmin.u32 v57, v61;
	vm14 =	vlt.s32 v2, $0xE41;
	v1 =	vnsel vm13, $0xE41, v1;
	[tilespmem:s10+$0x480] =	vst v0  }
0xdb: {  	vm15 =	vlt.s32 v62, $0xE41;
	v63 =	vnsel vm14, $0xE41, v2;
	[tilespmem:s10+$0x490] =	vst v1  }
0xdc: {  	[tilespmem:s10+$0x4A0] =	vst v63;
	v0 =	vnsel vm15, $0xE41, v62  }
0xdd: {  	[tilespmem:s10+$0x4B0] =	vst v0;
	s10 =	sadd.s32 $0x480, s10  }
0xde: {  	[tilespmem:s23], [sflag:$0xA] =	stream.indirect.gather [spmem:s3], $0x80, s10, s13, $0xb8;
	[tilespmem:$0x1E610] =	vst v63  }
0xdf: {  	_ =	swait.ge [sflag:s24], $0x2000  }
0xe0: {  	s11 =	rddreg [dreg:$0x5];
	[sflag:s24] =	ssyncset.done $0x0  }
0xe1: {  	[sflag:s24] =	ssyncadd.s32 $0xFFFFE000;
	s10 =	sadd.s32 s8, s11  }
0xe2: {  	[hbm4b:s10+s4] =	stream.linear.scatter [tilespmem:s14], [sflag:$0xB], $0x2000, $0x38;
	[tilespmem:$0x1E610] =	vst v63  }
0xe3: {  	_ =	swait.ge [sflag:s25], $0x2000  }
0xe4: {  	s11 =	rddreg [dreg:$0x6];
	[sflag:s25] =	ssyncset.done $0x0  }
0xe5: {  	[sflag:s25] =	ssyncadd.s32 $0xFFFFE000;
	s10 =	sadd.s32 s8, s11  }
0xe6: {  	[hbm4b:s10+s4] =	stream.linear.scatter [tilespmem:s15], [sflag:$0xC], $0x2000, $0x38;
	[tilespmem:$0x1E610] =	vst v63  }
0xe7: {  	_ =	swait.ge [sflag:s26], $0x2000  }
0xe8: {  	s11 =	rddreg [dreg:$0x7];
	[sflag:s26] =	ssyncset.done $0x0  }
0xe9: {  	[sflag:s26] =	ssyncadd.s32 $0xFFFFE000;
	s10 =	sadd.s32 s8, s11  }
0xea: {  	[hbm4b:s10+s4] =	stream.linear.scatter [tilespmem:s16], [sflag:$0xD], $0x2000, $0x38;
	[tilespmem:$0x1E610] =	vst v63  }
0xeb: {  	_ =	swait.ge [sflag:s28], $0x2000  }
0xec: {  	s11 =	rddreg [dreg:$0x9];
	[sflag:s28] =	ssyncset.done $0x0  }
0xed: {  	[sflag:s28] =	ssyncadd.s32 $0xFFFFE000;
	s10 =	sadd.s32 s8, s11  }
0xee: {  	[hbm4b:s10+s4] =	stream.linear.scatter [tilespmem:s17], [sflag:$0xE], $0x2000, $0x38;
	[tilespmem:$0x1E610] =	vst v63  }
0xef: {  	_ =	swait.ge [sflag:s29], $0x2000  }
0xf0: {  	s11 =	rddreg [dreg:$0xa];
	[sflag:s29] =	ssyncset.done $0x0  }
0xf1: {  	[sflag:s29] =	ssyncadd.s32 $0xFFFFE000;
	s10 =	sadd.s32 s8, s11  }
0xf2: {  	[hbm4b:s10+s4] =	stream.linear.scatter [tilespmem:s18], [sflag:$0xF], $0x2000, $0x38;
	[tilespmem:$0x1E610] =	vst v63  }
0xf3: {  	_ =	swait.ge [sflag:s30], $0x2000  }
0xf4: {  	s11 =	rddreg [dreg:$0xc];
	[sflag:s30] =	ssyncset.done $0x0  }
0xf5: {  	[sflag:s30] =	ssyncadd.s32 $0xFFFFE000;
	s10 =	sadd.s32 s8, s11  }
0xf6: {  	[hbm4b:s10+s4] =	stream.linear.scatter [tilespmem:s19], [sflag:$0x10], $0x2000, $0x38;
	[tilespmem:$0x1E610] =	vst v63  }
0xf7: {  	_ =	swait.ge [sflag:s31], $0x2000  }
0xf8: {  	s11 =	rddreg [dreg:$0xe];
	[sflag:s31] =	ssyncset.done $0x0  }
0xf9: {  	[sflag:s31] =	ssyncadd.s32 $0xFFFFE000;
	s10 =	sadd.s32 s8, s11  }
0xfa: {  	[hbm4b:s10+s4] =	stream.linear.scatter [tilespmem:s20], [sflag:$0x11], $0x2000, $0x38;
	[tilespmem:$0x1E610] =	vst v63  }
0xfb: {  	_ =	swait.ge [sflag:s1], $0x2000  }
0xfc: {  	s11 =	rddreg [dreg:$0xd];
	[sflag:s1] =	ssyncset.done $0x0  }
0xfd: {  	[sflag:s1] =	ssyncadd.s32 $0xFFFFE000;
	s10 =	sadd.s32 s8, s11  }
0xfe: {  	[hbm4b:s10+s4] =	stream.linear.scatter [tilespmem:s21], [sflag:$0x12], $0x2000, $0x38;
	[tilespmem:$0x1E610] =	vst v63  }
0xff: {  	_ =	swait.ge [sflag:s0], $0x2000  }
0x100: {  	s9 =	sadd.s32 $0x1400, s9;
	s11 =	rddreg [dreg:$0xb];
	[sflag:s0] =	ssyncset.done $0x0  }
0x101: {  	p1 =	sne.s32 s9, $0xC800;
	[sflag:s0] =	ssyncadd.s32 $0xFFFFE000;
	s10 =	sadd.s32 s8, s11  }
0x102: {  	[hbm4b:s10+s4] =	stream.linear.scatter [tilespmem:s22], [sflag:$0x13], $0x2000, $0x38;
	[tilespmem:$0x1E610] =	vst v63  }
.Ltmp0:
0x103: {  	_ = 	snop;
	(pc) =	sbr.rel @p1 .LBB2_2-.Ltmp0, $4  }
0x104: {  	_ =	swait.ge [sflag:s2], $0x2000  }
0x105: {  	s11 =	rddreg [dreg:$0x8];
	[sflag:s2] =	ssyncset.done $0x0  }
0x106: {  	[sflag:s2] =	ssyncadd.s32 $0xFFFFE000;
	s10 =	sadd.s32 s8, s11;
	s8 =	sadd.s32 $0x2800, s8  }
0x107: {  	[hbm4b:s10+s4] =	stream.linear.scatter [tilespmem:s23], [sflag:$0x14], $0x2000, $0x38;
	[tilespmem:$0x1E610] =	vst v63  }
0x108: {  	s8 =	simm.s32 $0xB  }
0x109: {  	_ =	swait.ge [sflag:s8], $0x2000  }
0x10a: {  	[sflag:s8] =	ssyncset.done $0x0  }
0x10b: {  	s11 =	simm.s32 $0xC;
	[sflag:s8] =	ssyncadd.s32 $0xFFFFE000  }
0x10c: {  	_ =	swait.ge [sflag:s11], $0x2000  }
0x10d: {  	[sflag:s11] =	ssyncset.done $0x0  }
0x10e: {  	s9 =	simm.s32 $0xD;
	[sflag:s11] =	ssyncadd.s32 $0xFFFFE000  }
0x10f: {  	_ =	swait.ge [sflag:s9], $0x2000  }
0x110: {  	[sflag:s9] =	ssyncset.done $0x0  }
0x111: {  	s10 =	simm.s32 $0xE;
	[sflag:s9] =	ssyncadd.s32 $0xFFFFE000  }
0x112: {  	_ =	swait.ge [sflag:s10], $0x2000  }
0x113: {  	[sflag:s10] =	ssyncset.done $0x0  }
0x114: {  	s11 =	simm.s32 $0xF;
	[sflag:s10] =	ssyncadd.s32 $0xFFFFE000  }
0x115: {  	_ =	swait.ge [sflag:s11], $0x2000  }
0x116: {  	[sflag:s11] =	ssyncset.done $0x0  }
0x117: {  	s9 =	simm.s32 $0x10;
	[sflag:s11] =	ssyncadd.s32 $0xFFFFE000  }
0x118: {  	_ =	swait.ge [sflag:s9], $0x2000  }
0x119: {  	[sflag:s9] =	ssyncset.done $0x0  }
0x11a: {  	s10 =	simm.s32 $0x11;
	[sflag:s9] =	ssyncadd.s32 $0xFFFFE000  }
0x11b: {  	_ =	swait.ge [sflag:s10], $0x2000  }
0x11c: {  	[sflag:s10] =	ssyncset.done $0x0  }
0x11d: {  	[sflag:s10] =	ssyncadd.s32 $0xFFFFE000  }
0x11e: {  	_ =	swait.ge [sflag:s12], $0x2000  }
0x11f: {  	[sflag:s12] =	ssyncset.done $0x0  }
0x120: {  	[sflag:s12] =	ssyncadd.s32 $0xFFFFE000  }
0x121: {  	_ =	swait.ge [sflag:s5], $0x2000  }
0x122: {  	[sflag:s5] =	ssyncset.done $0x0  }
0x123: {  	[sflag:s5] =	ssyncadd.s32 $0xFFFFE000  }
0x124: {  	_ =	swait.ge [sflag:s6], $0x2000  }
0x125: {  	s7 =	sadd.s32 $0x1, s7;
	s11 =	rddreg [dreg:$0x12]  }
0x126: {  	p1 =	sne.s32 s7, s11  }
.Ltmp1:
0x127: {  	_ = 	snop;
	(pc) =	sbr.rel @p1 .LBB2_1-.Ltmp1, $3  }
0x128: {  	_ =	sdelay $0x1  }
0x129: {  	[sflag:s6] =	ssyncset.done $0x0  }
0x12a: {  	[sflag:s6] =	ssyncadd.s32 $0xFFFFE000  }
0x12b: {  	_ =	sfence.sel $0x180000  }
0x12c: {  	[bflag:$0x0] =	sbarrier.arrive $0xFFFF  }
0x12d: {  	_ =	strace $0x90000047  }
0x12e: {  	s0 =	stileid.u32;
	[bflag:$0x2] =	sbarrier.arrive $0xFFFF  }
0x12f: {  	p0 =	sne.s32 s0, $0x0;
	s0 =	rddreg [dreg:$0x4]  }
0x130: {  	s0 =	sadd.s32 @!p0 $0x100000, s0  }
0x131: {  	[sflag:s0] =	ssyncadd.tile.s32 @!p0 $0x1;
	_ =	shalt  }
.Lfunc_end2:
_tile_overlayer_lowered:
.L_overlay_start_2:
0x132: {  	(tag) =	ssettag $0x2  }
0x133: {  	s0 =	rddreg [dreg:$0x0];
	s2 =	stileid.u32  }
0x134: {  	s1 =	rddreg [dreg:$0x1];
	p0 =	sne.s32 s2, $0x0  }
0x135: {  	s3 =	rddreg [dreg:$0x2];
	[bflag:$0x3] =	sbarrier.arrive $0xFFFF;
	s2 =	simm.s32 @!p0 $0x1C15  }
0x136: {  	[timem:s3], [sflag:s2] =	dma.local @!p0 [hbm:s0], s1  }
0x137: {  	s0 =	simm.s32 @!p0 $0x15  }
0x138: {  	_ =	swait.ge @!p0 [sflag:s0], s1  }
0x139: {  	s1 =	ssub.s32 @!p0 $0x0, s1;
	[sflag:s0] =	ssyncset.done @!p0 $0x0  }
0x13a: {  	[sflag:s0] =	ssyncadd.s32 @!p0 s1  }
0x13b: {  	[bflag:$0x3] =	sbarrier.arrive $0xFFFF  }
0x13c: {  	_ =	shalt  }

</sc_bundles>
